<compile_context>
chip_gen: v7x
topology: tpu7x:2x2x1
jax: 0.10.2.dev20260603
libtpu: 0.0.44.dev20260713+nightly
codegen_flags: <defaults>
</compile_context>

<pallas_src>
import functools

import jax
import jax.numpy as jnp
from jax import lax
from jax.experimental import pallas as pl
from jax.experimental.pallas import tpu as pltpu
from jax.experimental.pallas import tpu_sc as plsc

_B = 4096
_T = 200
_EMB = 32
_N = _B * _T
_SPLIT = 4
_NH = _N // _SPLIT

_NC = 2
_NS = 16
_NW = _NC * _NS
_PER_W = _NH // _NW
_CHUNK = 1600
_NCHUNK = _PER_W // _CHUNK

_mesh = plsc.VectorSubcoreMesh(core_axis_name="c", subcore_axis_name="s")


@functools.partial(
    pl.kernel,
    mesh=_mesh,
    out_type=jax.ShapeDtypeStruct((_NH, _EMB), jnp.float32),
    scratch_types=[
        pltpu.VMEM((_NCHUNK, _CHUNK), jnp.int32),
        pltpu.VMEM((_CHUNK, _EMB), jnp.float32),
        pltpu.VMEM((_CHUNK, _EMB), jnp.float32),
        pltpu.SemaphoreType.DMA,
        pltpu.SemaphoreType.DMA,
        pltpu.SemaphoreType.DMA,
        pltpu.SemaphoreType.DMA,
    ],
    compiler_params=pltpu.CompilerParams(use_tc_tiling_on_sc=False),
)
def _sc_gather(idx_hbm, table_hbm, out_hbm, idx_v, rows0, rows1,
               sg0, sg1, sw0, sw1):
    wid = lax.axis_index("s") * _NC + lax.axis_index("c")
    base = wid * _PER_W
    rows = (rows0, rows1)
    sg = (sg0, sg1)
    sw = (sw0, sw1)

    pltpu.sync_copy(idx_hbm.at[wid], idx_v)

    @pl.loop(0, _NCHUNK // 2)
    def body(g):
        for b in range(2):
            i = 2 * g + b

            @pl.when(g > 0)
            def _wait_wb():
                pltpu.make_async_copy(
                    rows[b], out_hbm.at[pl.ds(base, _CHUNK)], sw[b]).wait()

            pltpu.async_copy(table_hbm.at[idx_v.at[i]], rows[b], sg[b])

        for b in range(2):
            i = 2 * g + b
            pltpu.make_async_copy(
                table_hbm.at[idx_v.at[i]], rows[b], sg[b]).wait()
            pltpu.async_copy(
                rows[b], out_hbm.at[pl.ds(base + i * _CHUNK, _CHUNK)], sw[b])

    for b in range(2):
        pltpu.make_async_copy(
            rows[b], out_hbm.at[pl.ds(base, _CHUNK)], sw[b]).wait()


def kernel(x, table):
    xf = x.reshape(_N)
    halves = []
    for s in range(_SPLIT):
        xs = xf[s * _NH:(s + 1) * _NH]
        flat = _sc_gather(xs.reshape(_NW, _NCHUNK, _CHUNK), table)
        halves.append(flat.reshape(_B // _SPLIT, _T, _EMB))
    return jnp.concatenate(halves, axis=0)

# --- scband reference (transcript-rebuilt; emitter-appended) ---
"""Pipeline reference for scband-dense-encoder-15169824489757 (READ-ONLY COPY).

The authoritative reference and input builder live on the scoring server;
editing this copy changes nothing except your own understanding.
"""

import jax, jax.numpy as jnp
import numpy as np

VOCAB = 1000000
EMB_DIM = 32
B = 4096
T = 200

def setup_inputs(seed: int = 0) -> dict:
    key = jax.random.key(seed)
    k1, k2 = jax.random.split(key)
    x = jax.random.randint(k1, (B, T), 0, VOCAB, dtype=jnp.int64 if jax.config.jax_enable_x64 else jnp.int32).astype(jnp.int32)
    table = jax.random.normal(k2, (VOCAB, EMB_DIM), dtype=jnp.float32)
    return {"x": x, "table": table}

def reference(x, table):
    # DenseEncoder in 'discrete' mode: nn.Embedding lookup.
    # x: int[B, T] -> out: float32[B, T, EMB_DIM]
    return jnp.take(table, x, axis=0)

if __name__ == "__main__":
    import jax
    _d = setup_inputs()
    print(jax.jit(kernel)(*tuple(_d.values())))

</pallas_src>

<mosaic_0001>
#map = affine_map<(d0, d1) -> (0, 0, 0)>
#map1 = affine_map<(d0, d1) -> (0, 0)>
module attributes {stable_mosaic.version = 14 : i64} {
  func.func @_sc_gather(%arg0: i32, %arg1: i32, %arg2: memref<32x4x1600xi32, #tpu.memory_space<hbm>>, %arg3: memref<1000000x32xf32, #tpu.memory_space<hbm>>, %arg4: memref<204800x32xf32, #tpu.memory_space<hbm>>, %arg5: memref<4x1600xi32, #tpu.memory_space<vmem>>, %arg6: memref<1600x32xf32, #tpu.memory_space<vmem>>, %arg7: memref<1600x32xf32, #tpu.memory_space<vmem>>, %arg8: memref<!tpu.dma_semaphore, #tpu.memory_space<semaphore_mem>>, %arg9: memref<!tpu.dma_semaphore, #tpu.memory_space<semaphore_mem>>, %arg10: memref<!tpu.dma_semaphore, #tpu.memory_space<semaphore_mem>>, %arg11: memref<!tpu.dma_semaphore, #tpu.memory_space<semaphore_mem>>) attributes {dimension_semantics = [#tpu.dimension_semantics<core_parallel>, #tpu.dimension_semantics<subcore_parallel>], iteration_bounds = array<i64: 2, 16>, scalar_prefetch = 0 : i64, scratch_operands = 7 : i64, tpu.core_type = #tpu.core_type<sc_vector_subcore>, window_params = [{transform_indices = #map}, {transform_indices = #map1}, {transform_indices = #map1}]} {
    %mul3A = arith.constant 2 : i32
    %mul3A_0 = arith.muli %arg1, %mul3A : i32
    %add3A = arith.addi %mul3A_0, %arg0 : i32
    %mul3A_1 = arith.constant 6400 : i32
    %mul3A_2 = arith.muli %add3A, %mul3A_1 : i32
    "tpu.region"() ({
      %run_scoped3A = tpu.sem_alloc : memref<!tpu.dma_semaphore, #tpu.memory_space<semaphore_mem>>
      %dma_start3A = arith.constant 0 : i32
      %dma_start3A_14 = arith.constant 0 : i32
      %dma_start3A_15 = tpu.memref_slice %arg2[%add3A, %dma_start3A, %dma_start3A_14] : memref<32x4x1600xi32, #tpu.memory_space<hbm>> -> memref<1x4x1600xi32, #tpu.memory_space<hbm>>
      %dma_start3A_16 = tpu.memref_squeeze %dma_start3A_15 : memref<1x4x1600xi32, #tpu.memory_space<hbm>> -> memref<4x1600xi32, #tpu.memory_space<hbm>>
      %dma_start3A_17 = arith.constant 0 : i32
      %dma_start3A_18 = arith.constant 0 : i32
      %dma_start3A_19 = tpu.memref_slice %arg2[%add3A, %dma_start3A_17, %dma_start3A_18] : memref<32x4x1600xi32, #tpu.memory_space<hbm>> -> memref<1x4x1600xi32, #tpu.memory_space<hbm>>
      %dma_start3A_20 = tpu.memref_squeeze %dma_start3A_19 : memref<1x4x1600xi32, #tpu.memory_space<hbm>> -> memref<4x1600xi32, #tpu.memory_space<hbm>>
      tpu.enqueue_dma source(%dma_start3A_20 : memref<4x1600xi32, #tpu.memory_space<hbm>>) target(%arg5 : memref<4x1600xi32, #tpu.memory_space<vmem>>) target_semaphore(%run_scoped3A : memref<!tpu.dma_semaphore, #tpu.memory_space<semaphore_mem>>)
      %dma_wait3A_21 = arith.constant 0 : i32
      %dma_wait3A_22 = arith.constant 0 : i32
      %dma_wait3A_23 = tpu.memref_slice %arg2[%add3A, %dma_wait3A_21, %dma_wait3A_22] : memref<32x4x1600xi32, #tpu.memory_space<hbm>> -> memref<1x4x1600xi32, #tpu.memory_space<hbm>>
      %dma_wait3A_24 = tpu.memref_squeeze %dma_wait3A_23 : memref<1x4x1600xi32, #tpu.memory_space<hbm>> -> memref<4x1600xi32, #tpu.memory_space<hbm>>
      %dma_wait3A_25 = arith.constant 0 : i32
      %dma_wait3A_26 = arith.constant 0 : i32
      %dma_wait3A_27 = tpu.memref_slice %arg2[%add3A, %dma_wait3A_25, %dma_wait3A_26] : memref<32x4x1600xi32, #tpu.memory_space<hbm>> -> memref<1x4x1600xi32, #tpu.memory_space<hbm>>
      %dma_wait3A_28 = tpu.memref_squeeze %dma_wait3A_27 : memref<1x4x1600xi32, #tpu.memory_space<hbm>> -> memref<4x1600xi32, #tpu.memory_space<hbm>>
      tpu.wait_dma2 semaphore(%run_scoped3A : memref<!tpu.dma_semaphore, #tpu.memory_space<semaphore_mem>>) src(%dma_wait3A_28 : memref<4x1600xi32, #tpu.memory_space<hbm>>) dst(%arg5 : memref<4x1600xi32, #tpu.memory_space<vmem>>)
      tpu.yield
    }) : () -> ()
    %scan3A = arith.constant 0 : i32
    %scan3A_3 = arith.constant 2 : i32
    %scan3A_4 = arith.addi %scan3A, %scan3A_3 : i32
    %scan3A_5 = arith.constant 1 : i32
    scf.for %scan3A_14 = %scan3A to %scan3A_4 step %scan3A_5  : i32 {
      %mul3A_15 = arith.constant 1 : i32
      %mul3A_16 = arith.muli %scan3A_14, %mul3A_15 : i32
      %add3A_17 = arith.constant 0 : i32
      %add3A_18 = arith.addi %add3A_17, %mul3A_16 : i32
      %mul3A_19 = arith.constant 2 : i32
      %mul3A_20 = arith.muli %mul3A_19, %add3A_18 : i32
      %add3A_21 = arith.constant 0 : i32
      %add3A_22 = arith.addi %mul3A_20, %add3A_21 : i32
      %gt3A = arith.constant 0 : i32
      %gt3A_23 = arith.cmpi sgt, %add3A_18, %gt3A : i32
      %convert_element_type3A = arith.extui %gt3A_23 : i1 to i32
      %cond3A = arith.constant 0 : i32
      %cond3A_24 = arith.cmpi ne, %convert_element_type3A, %cond3A : i32
      scf.if %cond3A_24 {
        %dma_wait3A_79 = arith.constant 0 : i32
        %dma_wait3A_80 = tpu.memref_slice %arg4[%mul3A_2, %dma_wait3A_79] : memref<204800x32xf32, #tpu.memory_space<hbm>> -> memref<1600x32xf32, #tpu.memory_space<hbm>>
        %dma_wait3A_81 = arith.constant 0 : i32
        %dma_wait3A_82 = tpu.memref_slice %arg4[%mul3A_2, %dma_wait3A_81] : memref<204800x32xf32, #tpu.memory_space<hbm>> -> memref<1600x32xf32, #tpu.memory_space<hbm>>
        tpu.wait_dma2 semaphore(%arg10 : memref<!tpu.dma_semaphore, #tpu.memory_space<semaphore_mem>>) src(%arg6 : memref<1600x32xf32, #tpu.memory_space<vmem>>) dst(%dma_wait3A_82 : memref<1600x32xf32, #tpu.memory_space<hbm>>)
      } else {
      }
      %dma_start3A = arith.constant 0 : i32
      %dma_start3A_25 = tpu.memref_slice %arg5[%add3A_22, %dma_start3A] : memref<4x1600xi32, #tpu.memory_space<vmem>> -> memref<1x1600xi32, #tpu.memory_space<vmem>>
      %dma_start3A_26 = tpu.memref_squeeze %dma_start3A_25 : memref<1x1600xi32, #tpu.memory_space<vmem>> -> memref<1600xi32, #tpu.memory_space<vmem>>
      %dma_start3A_27 = arith.constant 0 : i32
      %dma_start3A_28 = arith.constant 0 : i32
      %dma_start3A_29 = tpu.memref_slice %arg3[%dma_start3A_27, %dma_start3A_28] : memref<1000000x32xf32, #tpu.memory_space<hbm>> -> memref<1000000x32xf32, #tpu.memory_space<hbm>>
      tpu.enqueue_indirect_dma source(%dma_start3A_29 : memref<1000000x32xf32, #tpu.memory_space<hbm>>) target(%arg6 : memref<1600x32xf32, #tpu.memory_space<vmem>>) offsets(%dma_start3A_26 : memref<1600xi32, #tpu.memory_space<vmem>>) semaphore(%arg8 : memref<!tpu.dma_semaphore, #tpu.memory_space<semaphore_mem>>)
      %mul3A_30 = arith.constant 2 : i32
      %mul3A_31 = arith.muli %mul3A_30, %add3A_18 : i32
      %add3A_32 = arith.constant 1 : i32
      %add3A_33 = arith.addi %mul3A_31, %add3A_32 : i32
      %gt3A_34 = arith.constant 0 : i32
      %gt3A_35 = arith.cmpi sgt, %add3A_18, %gt3A_34 : i32
      %convert_element_type3A_36 = arith.extui %gt3A_35 : i1 to i32
      %cond3A_37 = arith.constant 0 : i32
      %cond3A_38 = arith.cmpi ne, %convert_element_type3A_36, %cond3A_37 : i32
      scf.if %cond3A_38 {
        %dma_wait3A_79 = arith.constant 0 : i32
        %dma_wait3A_80 = tpu.memref_slice %arg4[%mul3A_2, %dma_wait3A_79] : memref<204800x32xf32, #tpu.memory_space<hbm>> -> memref<1600x32xf32, #tpu.memory_space<hbm>>
        %dma_wait3A_81 = arith.constant 0 : i32
        %dma_wait3A_82 = tpu.memref_slice %arg4[%mul3A_2, %dma_wait3A_81] : memref<204800x32xf32, #tpu.memory_space<hbm>> -> memref<1600x32xf32, #tpu.memory_space<hbm>>
        tpu.wait_dma2 semaphore(%arg11 : memref<!tpu.dma_semaphore, #tpu.memory_space<semaphore_mem>>) src(%arg7 : memref<1600x32xf32, #tpu.memory_space<vmem>>) dst(%dma_wait3A_82 : memref<1600x32xf32, #tpu.memory_space<hbm>>)
      } else {
      }
      %dma_start3A_39 = arith.constant 0 : i32
      %dma_start3A_40 = tpu.memref_slice %arg5[%add3A_33, %dma_start3A_39] : memref<4x1600xi32, #tpu.memory_space<vmem>> -> memref<1x1600xi32, #tpu.memory_space<vmem>>
      %dma_start3A_41 = tpu.memref_squeeze %dma_start3A_40 : memref<1x1600xi32, #tpu.memory_space<vmem>> -> memref<1600xi32, #tpu.memory_space<vmem>>
      %dma_start3A_42 = arith.constant 0 : i32
      %dma_start3A_43 = arith.constant 0 : i32
      %dma_start3A_44 = tpu.memref_slice %arg3[%dma_start3A_42, %dma_start3A_43] : memref<1000000x32xf32, #tpu.memory_space<hbm>> -> memref<1000000x32xf32, #tpu.memory_space<hbm>>
      tpu.enqueue_indirect_dma source(%dma_start3A_44 : memref<1000000x32xf32, #tpu.memory_space<hbm>>) target(%arg7 : memref<1600x32xf32, #tpu.memory_space<vmem>>) offsets(%dma_start3A_41 : memref<1600xi32, #tpu.memory_space<vmem>>) semaphore(%arg9 : memref<!tpu.dma_semaphore, #tpu.memory_space<semaphore_mem>>)
      %mul3A_45 = arith.constant 2 : i32
      %mul3A_46 = arith.muli %mul3A_45, %add3A_18 : i32
      %add3A_47 = arith.constant 0 : i32
      %add3A_48 = arith.addi %mul3A_46, %add3A_47 : i32
      %dma_wait3A_49 = arith.constant 0 : i32
      %dma_wait3A_50 = tpu.memref_slice %arg5[%add3A_48, %dma_wait3A_49] : memref<4x1600xi32, #tpu.memory_space<vmem>> -> memref<1x1600xi32, #tpu.memory_space<vmem>>
      %dma_wait3A_51 = tpu.memref_squeeze %dma_wait3A_50 : memref<1x1600xi32, #tpu.memory_space<vmem>> -> memref<1600xi32, #tpu.memory_space<vmem>>
      %dma_wait3A_52 = arith.constant 0 : i32
      %dma_wait3A_53 = arith.constant 0 : i32
      %dma_wait3A_54 = tpu.memref_slice %arg3[%dma_wait3A_52, %dma_wait3A_53] : memref<1000000x32xf32, #tpu.memory_space<hbm>> -> memref<1000000x32xf32, #tpu.memory_space<hbm>>
      tpu.wait_indirect_dma semaphore(%arg8 : memref<!tpu.dma_semaphore, #tpu.memory_space<semaphore_mem>>) src(%dma_wait3A_54 : memref<1000000x32xf32, #tpu.memory_space<hbm>>) dst(%arg6 : memref<1600x32xf32, #tpu.memory_space<vmem>>)
      %mul3A_55 = arith.constant 1600 : i32
      %mul3A_56 = arith.muli %add3A_48, %mul3A_55 : i32
      %add3A_57 = arith.addi %mul3A_2, %mul3A_56 : i32
      %dma_start3A_58 = arith.constant 0 : i32
      %dma_start3A_59 = tpu.memref_slice %arg4[%add3A_57, %dma_start3A_58] : memref<204800x32xf32, #tpu.memory_space<hbm>> -> memref<1600x32xf32, #tpu.memory_space<hbm>>
      %dma_start3A_60 = arith.constant 0 : i32
      %dma_start3A_61 = tpu.memref_slice %arg4[%add3A_57, %dma_start3A_60] : memref<204800x32xf32, #tpu.memory_space<hbm>> -> memref<1600x32xf32, #tpu.memory_space<hbm>>
      tpu.enqueue_dma source(%arg6 : memref<1600x32xf32, #tpu.memory_space<vmem>>) target(%dma_start3A_61 : memref<1600x32xf32, #tpu.memory_space<hbm>>) target_semaphore(%arg10 : memref<!tpu.dma_semaphore, #tpu.memory_space<semaphore_mem>>)
      %mul3A_62 = arith.constant 2 : i32
      %mul3A_63 = arith.muli %mul3A_62, %add3A_18 : i32
      %add3A_64 = arith.constant 1 : i32
      %add3A_65 = arith.addi %mul3A_63, %add3A_64 : i32
      %dma_wait3A_66 = arith.constant 0 : i32
      %dma_wait3A_67 = tpu.memref_slice %arg5[%add3A_65, %dma_wait3A_66] : memref<4x1600xi32, #tpu.memory_space<vmem>> -> memref<1x1600xi32, #tpu.memory_space<vmem>>
      %dma_wait3A_68 = tpu.memref_squeeze %dma_wait3A_67 : memref<1x1600xi32, #tpu.memory_space<vmem>> -> memref<1600xi32, #tpu.memory_space<vmem>>
      %dma_wait3A_69 = arith.constant 0 : i32
      %dma_wait3A_70 = arith.constant 0 : i32
      %dma_wait3A_71 = tpu.memref_slice %arg3[%dma_wait3A_69, %dma_wait3A_70] : memref<1000000x32xf32, #tpu.memory_space<hbm>> -> memref<1000000x32xf32, #tpu.memory_space<hbm>>
      tpu.wait_indirect_dma semaphore(%arg9 : memref<!tpu.dma_semaphore, #tpu.memory_space<semaphore_mem>>) src(%dma_wait3A_71 : memref<1000000x32xf32, #tpu.memory_space<hbm>>) dst(%arg7 : memref<1600x32xf32, #tpu.memory_space<vmem>>)
      %mul3A_72 = arith.constant 1600 : i32
      %mul3A_73 = arith.muli %add3A_65, %mul3A_72 : i32
      %add3A_74 = arith.addi %mul3A_2, %mul3A_73 : i32
      %dma_start3A_75 = arith.constant 0 : i32
      %dma_start3A_76 = tpu.memref_slice %arg4[%add3A_74, %dma_start3A_75] : memref<204800x32xf32, #tpu.memory_space<hbm>> -> memref<1600x32xf32, #tpu.memory_space<hbm>>
      %dma_start3A_77 = arith.constant 0 : i32
      %dma_start3A_78 = tpu.memref_slice %arg4[%add3A_74, %dma_start3A_77] : memref<204800x32xf32, #tpu.memory_space<hbm>> -> memref<1600x32xf32, #tpu.memory_space<hbm>>
      tpu.enqueue_dma source(%arg7 : memref<1600x32xf32, #tpu.memory_space<vmem>>) target(%dma_start3A_78 : memref<1600x32xf32, #tpu.memory_space<hbm>>) target_semaphore(%arg11 : memref<!tpu.dma_semaphore, #tpu.memory_space<semaphore_mem>>)
    }
    %scan3A_6 = arith.constant 2 : i32
    %dma_wait3A = arith.constant 0 : i32
    %dma_wait3A_7 = tpu.memref_slice %arg4[%mul3A_2, %dma_wait3A] : memref<204800x32xf32, #tpu.memory_space<hbm>> -> memref<1600x32xf32, #tpu.memory_space<hbm>>
    %dma_wait3A_8 = arith.constant 0 : i32
    %dma_wait3A_9 = tpu.memref_slice %arg4[%mul3A_2, %dma_wait3A_8] : memref<204800x32xf32, #tpu.memory_space<hbm>> -> memref<1600x32xf32, #tpu.memory_space<hbm>>
    tpu.wait_dma2 semaphore(%arg10 : memref<!tpu.dma_semaphore, #tpu.memory_space<semaphore_mem>>) src(%arg6 : memref<1600x32xf32, #tpu.memory_space<vmem>>) dst(%dma_wait3A_9 : memref<1600x32xf32, #tpu.memory_space<hbm>>)
    %dma_wait3A_10 = arith.constant 0 : i32
    %dma_wait3A_11 = tpu.memref_slice %arg4[%mul3A_2, %dma_wait3A_10] : memref<204800x32xf32, #tpu.memory_space<hbm>> -> memref<1600x32xf32, #tpu.memory_space<hbm>>
    %dma_wait3A_12 = arith.constant 0 : i32
    %dma_wait3A_13 = tpu.memref_slice %arg4[%mul3A_2, %dma_wait3A_12] : memref<204800x32xf32, #tpu.memory_space<hbm>> -> memref<1600x32xf32, #tpu.memory_space<hbm>>
    tpu.wait_dma2 semaphore(%arg11 : memref<!tpu.dma_semaphore, #tpu.memory_space<semaphore_mem>>) src(%arg7 : memref<1600x32xf32, #tpu.memory_space<vmem>>) dst(%dma_wait3A_13 : memref<1600x32xf32, #tpu.memory_space<hbm>>)
    return
  }
}

#map = affine_map<(d0, d1) -> (0, 0, 0)>
#map1 = affine_map<(d0, d1) -> (0, 0)>
module attributes {stable_mosaic.version = 14 : i64} {
  func.func @_sc_gather(%arg0: i32, %arg1: i32, %arg2: memref<32x4x1600xi32, #tpu.memory_space<hbm>>, %arg3: memref<1000000x32xf32, #tpu.memory_space<hbm>>, %arg4: memref<204800x32xf32, #tpu.memory_space<hbm>>, %arg5: memref<4x1600xi32, #tpu.memory_space<vmem>>, %arg6: memref<1600x32xf32, #tpu.memory_space<vmem>>, %arg7: memref<1600x32xf32, #tpu.memory_space<vmem>>, %arg8: memref<!tpu.dma_semaphore, #tpu.memory_space<semaphore_mem>>, %arg9: memref<!tpu.dma_semaphore, #tpu.memory_space<semaphore_mem>>, %arg10: memref<!tpu.dma_semaphore, #tpu.memory_space<semaphore_mem>>, %arg11: memref<!tpu.dma_semaphore, #tpu.memory_space<semaphore_mem>>) attributes {dimension_semantics = [#tpu.dimension_semantics<core_parallel>, #tpu.dimension_semantics<subcore_parallel>], iteration_bounds = array<i64: 2, 16>, scalar_prefetch = 0 : i64, scratch_operands = 7 : i64, tpu.core_type = #tpu.core_type<sc_vector_subcore>, window_params = [{transform_indices = #map}, {transform_indices = #map1}, {transform_indices = #map1}]} {
    %mul3A = arith.constant 2 : i32
    %mul3A_0 = arith.muli %arg1, %mul3A : i32
    %add3A = arith.addi %mul3A_0, %arg0 : i32
    %mul3A_1 = arith.constant 6400 : i32
    %mul3A_2 = arith.muli %add3A, %mul3A_1 : i32
    "tpu.region"() ({
      %run_scoped3A = tpu.sem_alloc : memref<!tpu.dma_semaphore, #tpu.memory_space<semaphore_mem>>
      %dma_start3A = arith.constant 0 : i32
      %dma_start3A_14 = arith.constant 0 : i32
      %dma_start3A_15 = tpu.memref_slice %arg2[%add3A, %dma_start3A, %dma_start3A_14] : memref<32x4x1600xi32, #tpu.memory_space<hbm>> -> memref<1x4x1600xi32, #tpu.memory_space<hbm>>
      %dma_start3A_16 = tpu.memref_squeeze %dma_start3A_15 : memref<1x4x1600xi32, #tpu.memory_space<hbm>> -> memref<4x1600xi32, #tpu.memory_space<hbm>>
      %dma_start3A_17 = arith.constant 0 : i32
      %dma_start3A_18 = arith.constant 0 : i32
      %dma_start3A_19 = tpu.memref_slice %arg2[%add3A, %dma_start3A_17, %dma_start3A_18] : memref<32x4x1600xi32, #tpu.memory_space<hbm>> -> memref<1x4x1600xi32, #tpu.memory_space<hbm>>
      %dma_start3A_20 = tpu.memref_squeeze %dma_start3A_19 : memref<1x4x1600xi32, #tpu.memory_space<hbm>> -> memref<4x1600xi32, #tpu.memory_space<hbm>>
      tpu.enqueue_dma source(%dma_start3A_20 : memref<4x1600xi32, #tpu.memory_space<hbm>>) target(%arg5 : memref<4x1600xi32, #tpu.memory_space<vmem>>) target_semaphore(%run_scoped3A : memref<!tpu.dma_semaphore, #tpu.memory_space<semaphore_mem>>)
      %dma_wait3A_21 = arith.constant 0 : i32
      %dma_wait3A_22 = arith.constant 0 : i32
      %dma_wait3A_23 = tpu.memref_slice %arg2[%add3A, %dma_wait3A_21, %dma_wait3A_22] : memref<32x4x1600xi32, #tpu.memory_space<hbm>> -> memref<1x4x1600xi32, #tpu.memory_space<hbm>>
      %dma_wait3A_24 = tpu.memref_squeeze %dma_wait3A_23 : memref<1x4x1600xi32, #tpu.memory_space<hbm>> -> memref<4x1600xi32, #tpu.memory_space<hbm>>
      %dma_wait3A_25 = arith.constant 0 : i32
      %dma_wait3A_26 = arith.constant 0 : i32
      %dma_wait3A_27 = tpu.memref_slice %arg2[%add3A, %dma_wait3A_25, %dma_wait3A_26] : memref<32x4x1600xi32, #tpu.memory_space<hbm>> -> memref<1x4x1600xi32, #tpu.memory_space<hbm>>
      %dma_wait3A_28 = tpu.memref_squeeze %dma_wait3A_27 : memref<1x4x1600xi32, #tpu.memory_space<hbm>> -> memref<4x1600xi32, #tpu.memory_space<hbm>>
      tpu.wait_dma2 semaphore(%run_scoped3A : memref<!tpu.dma_semaphore, #tpu.memory_space<semaphore_mem>>) src(%dma_wait3A_28 : memref<4x1600xi32, #tpu.memory_space<hbm>>) dst(%arg5 : memref<4x1600xi32, #tpu.memory_space<vmem>>)
      tpu.yield
    }) : () -> ()
    %scan3A = arith.constant 0 : i32
    %scan3A_3 = arith.constant 2 : i32
    %scan3A_4 = arith.addi %scan3A, %scan3A_3 : i32
    %scan3A_5 = arith.constant 1 : i32
    scf.for %scan3A_14 = %scan3A to %scan3A_4 step %scan3A_5  : i32 {
      %mul3A_15 = arith.constant 1 : i32
      %mul3A_16 = arith.muli %scan3A_14, %mul3A_15 : i32
      %add3A_17 = arith.constant 0 : i32
      %add3A_18 = arith.addi %add3A_17, %mul3A_16 : i32
      %mul3A_19 = arith.constant 2 : i32
      %mul3A_20 = arith.muli %mul3A_19, %add3A_18 : i32
      %add3A_21 = arith.constant 0 : i32
      %add3A_22 = arith.addi %mul3A_20, %add3A_21 : i32
      %gt3A = arith.constant 0 : i32
      %gt3A_23 = arith.cmpi sgt, %add3A_18, %gt3A : i32
      %convert_element_type3A = arith.extui %gt3A_23 : i1 to i32
      %cond3A = arith.constant 0 : i32
      %cond3A_24 = arith.cmpi ne, %convert_element_type3A, %cond3A : i32
      scf.if %cond3A_24 {
        %dma_wait3A_79 = arith.constant 0 : i32
        %dma_wait3A_80 = tpu.memref_slice %arg4[%mul3A_2, %dma_wait3A_79] : memref<204800x32xf32, #tpu.memory_space<hbm>> -> memref<1600x32xf32, #tpu.memory_space<hbm>>
        %dma_wait3A_81 = arith.constant 0 : i32
        %dma_wait3A_82 = tpu.memref_slice %arg4[%mul3A_2, %dma_wait3A_81] : memref<204800x32xf32, #tpu.memory_space<hbm>> -> memref<1600x32xf32, #tpu.memory_space<hbm>>
        tpu.wait_dma2 semaphore(%arg10 : memref<!tpu.dma_semaphore, #tpu.memory_space<semaphore_mem>>) src(%arg6 : memref<1600x32xf32, #tpu.memory_space<vmem>>) dst(%dma_wait3A_82 : memref<1600x32xf32, #tpu.memory_space<hbm>>)
      } else {
      }
      %dma_start3A = arith.constant 0 : i32
      %dma_start3A_25 = tpu.memref_slice %arg5[%add3A_22, %dma_start3A] : memref<4x1600xi32, #tpu.memory_space<vmem>> -> memref<1x1600xi32, #tpu.memory_space<vmem>>
      %dma_start3A_26 = tpu.memref_squeeze %dma_start3A_25 : memref<1x1600xi32, #tpu.memory_space<vmem>> -> memref<1600xi32, #tpu.memory_space<vmem>>
      %dma_start3A_27 = arith.constant 0 : i32
      %dma_start3A_28 = arith.constant 0 : i32
      %dma_start3A_29 = tpu.memref_slice %arg3[%dma_start3A_27, %dma_start3A_28] : memref<1000000x32xf32, #tpu.memory_space<hbm>> -> memref<1000000x32xf32, #tpu.memory_space<hbm>>
      tpu.enqueue_indirect_dma source(%dma_start3A_29 : memref<1000000x32xf32, #tpu.memory_space<hbm>>) target(%arg6 : memref<1600x32xf32, #tpu.memory_space<vmem>>) offsets(%dma_start3A_26 : memref<1600xi32, #tpu.memory_space<vmem>>) semaphore(%arg8 : memref<!tpu.dma_semaphore, #tpu.memory_space<semaphore_mem>>)
      %mul3A_30 = arith.constant 2 : i32
      %mul3A_31 = arith.muli %mul3A_30, %add3A_18 : i32
      %add3A_32 = arith.constant 1 : i32
      %add3A_33 = arith.addi %mul3A_31, %add3A_32 : i32
      %gt3A_34 = arith.constant 0 : i32
      %gt3A_35 = arith.cmpi sgt, %add3A_18, %gt3A_34 : i32
      %convert_element_type3A_36 = arith.extui %gt3A_35 : i1 to i32
      %cond3A_37 = arith.constant 0 : i32
      %cond3A_38 = arith.cmpi ne, %convert_element_type3A_36, %cond3A_37 : i32
      scf.if %cond3A_38 {
        %dma_wait3A_79 = arith.constant 0 : i32
        %dma_wait3A_80 = tpu.memref_slice %arg4[%mul3A_2, %dma_wait3A_79] : memref<204800x32xf32, #tpu.memory_space<hbm>> -> memref<1600x32xf32, #tpu.memory_space<hbm>>
        %dma_wait3A_81 = arith.constant 0 : i32
        %dma_wait3A_82 = tpu.memref_slice %arg4[%mul3A_2, %dma_wait3A_81] : memref<204800x32xf32, #tpu.memory_space<hbm>> -> memref<1600x32xf32, #tpu.memory_space<hbm>>
        tpu.wait_dma2 semaphore(%arg11 : memref<!tpu.dma_semaphore, #tpu.memory_space<semaphore_mem>>) src(%arg7 : memref<1600x32xf32, #tpu.memory_space<vmem>>) dst(%dma_wait3A_82 : memref<1600x32xf32, #tpu.memory_space<hbm>>)
      } else {
      }
      %dma_start3A_39 = arith.constant 0 : i32
      %dma_start3A_40 = tpu.memref_slice %arg5[%add3A_33, %dma_start3A_39] : memref<4x1600xi32, #tpu.memory_space<vmem>> -> memref<1x1600xi32, #tpu.memory_space<vmem>>
      %dma_start3A_41 = tpu.memref_squeeze %dma_start3A_40 : memref<1x1600xi32, #tpu.memory_space<vmem>> -> memref<1600xi32, #tpu.memory_space<vmem>>
      %dma_start3A_42 = arith.constant 0 : i32
      %dma_start3A_43 = arith.constant 0 : i32
      %dma_start3A_44 = tpu.memref_slice %arg3[%dma_start3A_42, %dma_start3A_43] : memref<1000000x32xf32, #tpu.memory_space<hbm>> -> memref<1000000x32xf32, #tpu.memory_space<hbm>>
      tpu.enqueue_indirect_dma source(%dma_start3A_44 : memref<1000000x32xf32, #tpu.memory_space<hbm>>) target(%arg7 : memref<1600x32xf32, #tpu.memory_space<vmem>>) offsets(%dma_start3A_41 : memref<1600xi32, #tpu.memory_space<vmem>>) semaphore(%arg9 : memref<!tpu.dma_semaphore, #tpu.memory_space<semaphore_mem>>)
      %mul3A_45 = arith.constant 2 : i32
      %mul3A_46 = arith.muli %mul3A_45, %add3A_18 : i32
      %add3A_47 = arith.constant 0 : i32
      %add3A_48 = arith.addi %mul3A_46, %add3A_47 : i32
      %dma_wait3A_49 = arith.constant 0 : i32
      %dma_wait3A_50 = tpu.memref_slice %arg5[%add3A_48, %dma_wait3A_49] : memref<4x1600xi32, #tpu.memory_space<vmem>> -> memref<1x1600xi32, #tpu.memory_space<vmem>>
      %dma_wait3A_51 = tpu.memref_squeeze %dma_wait3A_50 : memref<1x1600xi32, #tpu.memory_space<vmem>> -> memref<1600xi32, #tpu.memory_space<vmem>>
      %dma_wait3A_52 = arith.constant 0 : i32
      %dma_wait3A_53 = arith.constant 0 : i32
      %dma_wait3A_54 = tpu.memref_slice %arg3[%dma_wait3A_52, %dma_wait3A_53] : memref<1000000x32xf32, #tpu.memory_space<hbm>> -> memref<1000000x32xf32, #tpu.memory_space<hbm>>
      tpu.wait_indirect_dma semaphore(%arg8 : memref<!tpu.dma_semaphore, #tpu.memory_space<semaphore_mem>>) src(%dma_wait3A_54 : memref<1000000x32xf32, #tpu.memory_space<hbm>>) dst(%arg6 : memref<1600x32xf32, #tpu.memory_space<vmem>>)
      %mul3A_55 = arith.constant 1600 : i32
      %mul3A_56 = arith.muli %add3A_48, %mul3A_55 : i32
      %add3A_57 = arith.addi %mul3A_2, %mul3A_56 : i32
      %dma_start3A_58 = arith.constant 0 : i32
      %dma_start3A_59 = tpu.memref_slice %arg4[%add3A_57, %dma_start3A_58] : memref<204800x32xf32, #tpu.memory_space<hbm>> -> memref<1600x32xf32, #tpu.memory_space<hbm>>
      %dma_start3A_60 = arith.constant 0 : i32
      %dma_start3A_61 = tpu.memref_slice %arg4[%add3A_57, %dma_start3A_60] : memref<204800x32xf32, #tpu.memory_space<hbm>> -> memref<1600x32xf32, #tpu.memory_space<hbm>>
      tpu.enqueue_dma source(%arg6 : memref<1600x32xf32, #tpu.memory_space<vmem>>) target(%dma_start3A_61 : memref<1600x32xf32, #tpu.memory_space<hbm>>) target_semaphore(%arg10 : memref<!tpu.dma_semaphore, #tpu.memory_space<semaphore_mem>>)
      %mul3A_62 = arith.constant 2 : i32
      %mul3A_63 = arith.muli %mul3A_62, %add3A_18 : i32
      %add3A_64 = arith.constant 1 : i32
      %add3A_65 = arith.addi %mul3A_63, %add3A_64 : i32
      %dma_wait3A_66 = arith.constant 0 : i32
      %dma_wait3A_67 = tpu.memref_slice %arg5[%add3A_65, %dma_wait3A_66] : memref<4x1600xi32, #tpu.memory_space<vmem>> -> memref<1x1600xi32, #tpu.memory_space<vmem>>
      %dma_wait3A_68 = tpu.memref_squeeze %dma_wait3A_67 : memref<1x1600xi32, #tpu.memory_space<vmem>> -> memref<1600xi32, #tpu.memory_space<vmem>>
      %dma_wait3A_69 = arith.constant 0 : i32
      %dma_wait3A_70 = arith.constant 0 : i32
      %dma_wait3A_71 = tpu.memref_slice %arg3[%dma_wait3A_69, %dma_wait3A_70] : memref<1000000x32xf32, #tpu.memory_space<hbm>> -> memref<1000000x32xf32, #tpu.memory_space<hbm>>
      tpu.wait_indirect_dma semaphore(%arg9 : memref<!tpu.dma_semaphore, #tpu.memory_space<semaphore_mem>>) src(%dma_wait3A_71 : memref<1000000x32xf32, #tpu.memory_space<hbm>>) dst(%arg7 : memref<1600x32xf32, #tpu.memory_space<vmem>>)
      %mul3A_72 = arith.constant 1600 : i32
      %mul3A_73 = arith.muli %add3A_65, %mul3A_72 : i32
      %add3A_74 = arith.addi %mul3A_2, %mul3A_73 : i32
      %dma_start3A_75 = arith.constant 0 : i32
      %dma_start3A_76 = tpu.memref_slice %arg4[%add3A_74, %dma_start3A_75] : memref<204800x32xf32, #tpu.memory_space<hbm>> -> memref<1600x32xf32, #tpu.memory_space<hbm>>
      %dma_start3A_77 = arith.constant 0 : i32
      %dma_start3A_78 = tpu.memref_slice %arg4[%add3A_74, %dma_start3A_77] : memref<204800x32xf32, #tpu.memory_space<hbm>> -> memref<1600x32xf32, #tpu.memory_space<hbm>>
      tpu.enqueue_dma source(%arg7 : memref<1600x32xf32, #tpu.memory_space<vmem>>) target(%dma_start3A_78 : memref<1600x32xf32, #tpu.memory_space<hbm>>) target_semaphore(%arg11 : memref<!tpu.dma_semaphore, #tpu.memory_space<semaphore_mem>>)
    }
    %scan3A_6 = arith.constant 2 : i32
    %dma_wait3A = arith.constant 0 : i32
    %dma_wait3A_7 = tpu.memref_slice %arg4[%mul3A_2, %dma_wait3A] : memref<204800x32xf32, #tpu.memory_space<hbm>> -> memref<1600x32xf32, #tpu.memory_space<hbm>>
    %dma_wait3A_8 = arith.constant 0 : i32
    %dma_wait3A_9 = tpu.memref_slice %arg4[%mul3A_2, %dma_wait3A_8] : memref<204800x32xf32, #tpu.memory_space<hbm>> -> memref<1600x32xf32, #tpu.memory_space<hbm>>
    tpu.wait_dma2 semaphore(%arg10 : memref<!tpu.dma_semaphore, #tpu.memory_space<semaphore_mem>>) src(%arg6 : memref<1600x32xf32, #tpu.memory_space<vmem>>) dst(%dma_wait3A_9 : memref<1600x32xf32, #tpu.memory_space<hbm>>)
    %dma_wait3A_10 = arith.constant 0 : i32
    %dma_wait3A_11 = tpu.memref_slice %arg4[%mul3A_2, %dma_wait3A_10] : memref<204800x32xf32, #tpu.memory_space<hbm>> -> memref<1600x32xf32, #tpu.memory_space<hbm>>
    %dma_wait3A_12 = arith.constant 0 : i32
    %dma_wait3A_13 = tpu.memref_slice %arg4[%mul3A_2, %dma_wait3A_12] : memref<204800x32xf32, #tpu.memory_space<hbm>> -> memref<1600x32xf32, #tpu.memory_space<hbm>>
    tpu.wait_dma2 semaphore(%arg11 : memref<!tpu.dma_semaphore, #tpu.memory_space<semaphore_mem>>) src(%arg7 : memref<1600x32xf32, #tpu.memory_space<vmem>>) dst(%dma_wait3A_13 : memref<1600x32xf32, #tpu.memory_space<hbm>>)
    return
  }
}

#map = affine_map<(d0, d1) -> (0, 0, 0)>
#map1 = affine_map<(d0, d1) -> (0, 0)>
module attributes {stable_mosaic.version = 14 : i64} {
  func.func @_sc_gather(%arg0: i32, %arg1: i32, %arg2: memref<32x4x1600xi32, #tpu.memory_space<hbm>>, %arg3: memref<1000000x32xf32, #tpu.memory_space<hbm>>, %arg4: memref<204800x32xf32, #tpu.memory_space<hbm>>, %arg5: memref<4x1600xi32, #tpu.memory_space<vmem>>, %arg6: memref<1600x32xf32, #tpu.memory_space<vmem>>, %arg7: memref<1600x32xf32, #tpu.memory_space<vmem>>, %arg8: memref<!tpu.dma_semaphore, #tpu.memory_space<semaphore_mem>>, %arg9: memref<!tpu.dma_semaphore, #tpu.memory_space<semaphore_mem>>, %arg10: memref<!tpu.dma_semaphore, #tpu.memory_space<semaphore_mem>>, %arg11: memref<!tpu.dma_semaphore, #tpu.memory_space<semaphore_mem>>) attributes {dimension_semantics = [#tpu.dimension_semantics<core_parallel>, #tpu.dimension_semantics<subcore_parallel>], iteration_bounds = array<i64: 2, 16>, scalar_prefetch = 0 : i64, scratch_operands = 7 : i64, tpu.core_type = #tpu.core_type<sc_vector_subcore>, window_params = [{transform_indices = #map}, {transform_indices = #map1}, {transform_indices = #map1}]} {
    %mul3A = arith.constant 2 : i32
    %mul3A_0 = arith.muli %arg1, %mul3A : i32
    %add3A = arith.addi %mul3A_0, %arg0 : i32
    %mul3A_1 = arith.constant 6400 : i32
    %mul3A_2 = arith.muli %add3A, %mul3A_1 : i32
    "tpu.region"() ({
      %run_scoped3A = tpu.sem_alloc : memref<!tpu.dma_semaphore, #tpu.memory_space<semaphore_mem>>
      %dma_start3A = arith.constant 0 : i32
      %dma_start3A_14 = arith.constant 0 : i32
      %dma_start3A_15 = tpu.memref_slice %arg2[%add3A, %dma_start3A, %dma_start3A_14] : memref<32x4x1600xi32, #tpu.memory_space<hbm>> -> memref<1x4x1600xi32, #tpu.memory_space<hbm>>
      %dma_start3A_16 = tpu.memref_squeeze %dma_start3A_15 : memref<1x4x1600xi32, #tpu.memory_space<hbm>> -> memref<4x1600xi32, #tpu.memory_space<hbm>>
      %dma_start3A_17 = arith.constant 0 : i32
      %dma_start3A_18 = arith.constant 0 : i32
      %dma_start3A_19 = tpu.memref_slice %arg2[%add3A, %dma_start3A_17, %dma_start3A_18] : memref<32x4x1600xi32, #tpu.memory_space<hbm>> -> memref<1x4x1600xi32, #tpu.memory_space<hbm>>
      %dma_start3A_20 = tpu.memref_squeeze %dma_start3A_19 : memref<1x4x1600xi32, #tpu.memory_space<hbm>> -> memref<4x1600xi32, #tpu.memory_space<hbm>>
      tpu.enqueue_dma source(%dma_start3A_20 : memref<4x1600xi32, #tpu.memory_space<hbm>>) target(%arg5 : memref<4x1600xi32, #tpu.memory_space<vmem>>) target_semaphore(%run_scoped3A : memref<!tpu.dma_semaphore, #tpu.memory_space<semaphore_mem>>)
      %dma_wait3A_21 = arith.constant 0 : i32
      %dma_wait3A_22 = arith.constant 0 : i32
      %dma_wait3A_23 = tpu.memref_slice %arg2[%add3A, %dma_wait3A_21, %dma_wait3A_22] : memref<32x4x1600xi32, #tpu.memory_space<hbm>> -> memref<1x4x1600xi32, #tpu.memory_space<hbm>>
      %dma_wait3A_24 = tpu.memref_squeeze %dma_wait3A_23 : memref<1x4x1600xi32, #tpu.memory_space<hbm>> -> memref<4x1600xi32, #tpu.memory_space<hbm>>
      %dma_wait3A_25 = arith.constant 0 : i32
      %dma_wait3A_26 = arith.constant 0 : i32
      %dma_wait3A_27 = tpu.memref_slice %arg2[%add3A, %dma_wait3A_25, %dma_wait3A_26] : memref<32x4x1600xi32, #tpu.memory_space<hbm>> -> memref<1x4x1600xi32, #tpu.memory_space<hbm>>
      %dma_wait3A_28 = tpu.memref_squeeze %dma_wait3A_27 : memref<1x4x1600xi32, #tpu.memory_space<hbm>> -> memref<4x1600xi32, #tpu.memory_space<hbm>>
      tpu.wait_dma2 semaphore(%run_scoped3A : memref<!tpu.dma_semaphore, #tpu.memory_space<semaphore_mem>>) src(%dma_wait3A_28 : memref<4x1600xi32, #tpu.memory_space<hbm>>) dst(%arg5 : memref<4x1600xi32, #tpu.memory_space<vmem>>)
      tpu.yield
    }) : () -> ()
    %scan3A = arith.constant 0 : i32
    %scan3A_3 = arith.constant 2 : i32
    %scan3A_4 = arith.addi %scan3A, %scan3A_3 : i32
    %scan3A_5 = arith.constant 1 : i32
    scf.for %scan3A_14 = %scan3A to %scan3A_4 step %scan3A_5  : i32 {
      %mul3A_15 = arith.constant 1 : i32
      %mul3A_16 = arith.muli %scan3A_14, %mul3A_15 : i32
      %add3A_17 = arith.constant 0 : i32
      %add3A_18 = arith.addi %add3A_17, %mul3A_16 : i32
      %mul3A_19 = arith.constant 2 : i32
      %mul3A_20 = arith.muli %mul3A_19, %add3A_18 : i32
      %add3A_21 = arith.constant 0 : i32
      %add3A_22 = arith.addi %mul3A_20, %add3A_21 : i32
      %gt3A = arith.constant 0 : i32
      %gt3A_23 = arith.cmpi sgt, %add3A_18, %gt3A : i32
      %convert_element_type3A = arith.extui %gt3A_23 : i1 to i32
      %cond3A = arith.constant 0 : i32
      %cond3A_24 = arith.cmpi ne, %convert_element_type3A, %cond3A : i32
      scf.if %cond3A_24 {
        %dma_wait3A_79 = arith.constant 0 : i32
        %dma_wait3A_80 = tpu.memref_slice %arg4[%mul3A_2, %dma_wait3A_79] : memref<204800x32xf32, #tpu.memory_space<hbm>> -> memref<1600x32xf32, #tpu.memory_space<hbm>>
        %dma_wait3A_81 = arith.constant 0 : i32
        %dma_wait3A_82 = tpu.memref_slice %arg4[%mul3A_2, %dma_wait3A_81] : memref<204800x32xf32, #tpu.memory_space<hbm>> -> memref<1600x32xf32, #tpu.memory_space<hbm>>
        tpu.wait_dma2 semaphore(%arg10 : memref<!tpu.dma_semaphore, #tpu.memory_space<semaphore_mem>>) src(%arg6 : memref<1600x32xf32, #tpu.memory_space<vmem>>) dst(%dma_wait3A_82 : memref<1600x32xf32, #tpu.memory_space<hbm>>)
      } else {
      }
      %dma_start3A = arith.constant 0 : i32
      %dma_start3A_25 = tpu.memref_slice %arg5[%add3A_22, %dma_start3A] : memref<4x1600xi32, #tpu.memory_space<vmem>> -> memref<1x1600xi32, #tpu.memory_space<vmem>>
      %dma_start3A_26 = tpu.memref_squeeze %dma_start3A_25 : memref<1x1600xi32, #tpu.memory_space<vmem>> -> memref<1600xi32, #tpu.memory_space<vmem>>
      %dma_start3A_27 = arith.constant 0 : i32
      %dma_start3A_28 = arith.constant 0 : i32
      %dma_start3A_29 = tpu.memref_slice %arg3[%dma_start3A_27, %dma_start3A_28] : memref<1000000x32xf32, #tpu.memory_space<hbm>> -> memref<1000000x32xf32, #tpu.memory_space<hbm>>
      tpu.enqueue_indirect_dma source(%dma_start3A_29 : memref<1000000x32xf32, #tpu.memory_space<hbm>>) target(%arg6 : memref<1600x32xf32, #tpu.memory_space<vmem>>) offsets(%dma_start3A_26 : memref<1600xi32, #tpu.memory_space<vmem>>) semaphore(%arg8 : memref<!tpu.dma_semaphore, #tpu.memory_space<semaphore_mem>>)
      %mul3A_30 = arith.constant 2 : i32
      %mul3A_31 = arith.muli %mul3A_30, %add3A_18 : i32
      %add3A_32 = arith.constant 1 : i32
      %add3A_33 = arith.addi %mul3A_31, %add3A_32 : i32
      %gt3A_34 = arith.constant 0 : i32
      %gt3A_35 = arith.cmpi sgt, %add3A_18, %gt3A_34 : i32
      %convert_element_type3A_36 = arith.extui %gt3A_35 : i1 to i32
      %cond3A_37 = arith.constant 0 : i32
      %cond3A_38 = arith.cmpi ne, %convert_element_type3A_36, %cond3A_37 : i32
      scf.if %cond3A_38 {
        %dma_wait3A_79 = arith.constant 0 : i32
        %dma_wait3A_80 = tpu.memref_slice %arg4[%mul3A_2, %dma_wait3A_79] : memref<204800x32xf32, #tpu.memory_space<hbm>> -> memref<1600x32xf32, #tpu.memory_space<hbm>>
        %dma_wait3A_81 = arith.constant 0 : i32
        %dma_wait3A_82 = tpu.memref_slice %arg4[%mul3A_2, %dma_wait3A_81] : memref<204800x32xf32, #tpu.memory_space<hbm>> -> memref<1600x32xf32, #tpu.memory_space<hbm>>
        tpu.wait_dma2 semaphore(%arg11 : memref<!tpu.dma_semaphore, #tpu.memory_space<semaphore_mem>>) src(%arg7 : memref<1600x32xf32, #tpu.memory_space<vmem>>) dst(%dma_wait3A_82 : memref<1600x32xf32, #tpu.memory_space<hbm>>)
      } else {
      }
      %dma_start3A_39 = arith.constant 0 : i32
      %dma_start3A_40 = tpu.memref_slice %arg5[%add3A_33, %dma_start3A_39] : memref<4x1600xi32, #tpu.memory_space<vmem>> -> memref<1x1600xi32, #tpu.memory_space<vmem>>
      %dma_start3A_41 = tpu.memref_squeeze %dma_start3A_40 : memref<1x1600xi32, #tpu.memory_space<vmem>> -> memref<1600xi32, #tpu.memory_space<vmem>>
      %dma_start3A_42 = arith.constant 0 : i32
      %dma_start3A_43 = arith.constant 0 : i32
      %dma_start3A_44 = tpu.memref_slice %arg3[%dma_start3A_42, %dma_start3A_43] : memref<1000000x32xf32, #tpu.memory_space<hbm>> -> memref<1000000x32xf32, #tpu.memory_space<hbm>>
      tpu.enqueue_indirect_dma source(%dma_start3A_44 : memref<1000000x32xf32, #tpu.memory_space<hbm>>) target(%arg7 : memref<1600x32xf32, #tpu.memory_space<vmem>>) offsets(%dma_start3A_41 : memref<1600xi32, #tpu.memory_space<vmem>>) semaphore(%arg9 : memref<!tpu.dma_semaphore, #tpu.memory_space<semaphore_mem>>)
      %mul3A_45 = arith.constant 2 : i32
      %mul3A_46 = arith.muli %mul3A_45, %add3A_18 : i32
      %add3A_47 = arith.constant 0 : i32
      %add3A_48 = arith.addi %mul3A_46, %add3A_47 : i32
      %dma_wait3A_49 = arith.constant 0 : i32
      %dma_wait3A_50 = tpu.memref_slice %arg5[%add3A_48, %dma_wait3A_49] : memref<4x1600xi32, #tpu.memory_space<vmem>> -> memref<1x1600xi32, #tpu.memory_space<vmem>>
      %dma_wait3A_51 = tpu.memref_squeeze %dma_wait3A_50 : memref<1x1600xi32, #tpu.memory_space<vmem>> -> memref<1600xi32, #tpu.memory_space<vmem>>
      %dma_wait3A_52 = arith.constant 0 : i32
      %dma_wait3A_53 = arith.constant 0 : i32
      %dma_wait3A_54 = tpu.memref_slice %arg3[%dma_wait3A_52, %dma_wait3A_53] : memref<1000000x32xf32, #tpu.memory_space<hbm>> -> memref<1000000x32xf32, #tpu.memory_space<hbm>>
      tpu.wait_indirect_dma semaphore(%arg8 : memref<!tpu.dma_semaphore, #tpu.memory_space<semaphore_mem>>) src(%dma_wait3A_54 : memref<1000000x32xf32, #tpu.memory_space<hbm>>) dst(%arg6 : memref<1600x32xf32, #tpu.memory_space<vmem>>)
      %mul3A_55 = arith.constant 1600 : i32
      %mul3A_56 = arith.muli %add3A_48, %mul3A_55 : i32
      %add3A_57 = arith.addi %mul3A_2, %mul3A_56 : i32
      %dma_start3A_58 = arith.constant 0 : i32
      %dma_start3A_59 = tpu.memref_slice %arg4[%add3A_57, %dma_start3A_58] : memref<204800x32xf32, #tpu.memory_space<hbm>> -> memref<1600x32xf32, #tpu.memory_space<hbm>>
      %dma_start3A_60 = arith.constant 0 : i32
      %dma_start3A_61 = tpu.memref_slice %arg4[%add3A_57, %dma_start3A_60] : memref<204800x32xf32, #tpu.memory_space<hbm>> -> memref<1600x32xf32, #tpu.memory_space<hbm>>
      tpu.enqueue_dma source(%arg6 : memref<1600x32xf32, #tpu.memory_space<vmem>>) target(%dma_start3A_61 : memref<1600x32xf32, #tpu.memory_space<hbm>>) target_semaphore(%arg10 : memref<!tpu.dma_semaphore, #tpu.memory_space<semaphore_mem>>)
      %mul3A_62 = arith.constant 2 : i32
      %mul3A_63 = arith.muli %mul3A_62, %add3A_18 : i32
      %add3A_64 = arith.constant 1 : i32
      %add3A_65 = arith.addi %mul3A_63, %add3A_64 : i32
      %dma_wait3A_66 = arith.constant 0 : i32
      %dma_wait3A_67 = tpu.memref_slice %arg5[%add3A_65, %dma_wait3A_66] : memref<4x1600xi32, #tpu.memory_space<vmem>> -> memref<1x1600xi32, #tpu.memory_space<vmem>>
      %dma_wait3A_68 = tpu.memref_squeeze %dma_wait3A_67 : memref<1x1600xi32, #tpu.memory_space<vmem>> -> memref<1600xi32, #tpu.memory_space<vmem>>
      %dma_wait3A_69 = arith.constant 0 : i32
      %dma_wait3A_70 = arith.constant 0 : i32
      %dma_wait3A_71 = tpu.memref_slice %arg3[%dma_wait3A_69, %dma_wait3A_70] : memref<1000000x32xf32, #tpu.memory_space<hbm>> -> memref<1000000x32xf32, #tpu.memory_space<hbm>>
      tpu.wait_indirect_dma semaphore(%arg9 : memref<!tpu.dma_semaphore, #tpu.memory_space<semaphore_mem>>) src(%dma_wait3A_71 : memref<1000000x32xf32, #tpu.memory_space<hbm>>) dst(%arg7 : memref<1600x32xf32, #tpu.memory_space<vmem>>)
      %mul3A_72 = arith.constant 1600 : i32
      %mul3A_73 = arith.muli %add3A_65, %mul3A_72 : i32
      %add3A_74 = arith.addi %mul3A_2, %mul3A_73 : i32
      %dma_start3A_75 = arith.constant 0 : i32
      %dma_start3A_76 = tpu.memref_slice %arg4[%add3A_74, %dma_start3A_75] : memref<204800x32xf32, #tpu.memory_space<hbm>> -> memref<1600x32xf32, #tpu.memory_space<hbm>>
      %dma_start3A_77 = arith.constant 0 : i32
      %dma_start3A_78 = tpu.memref_slice %arg4[%add3A_74, %dma_start3A_77] : memref<204800x32xf32, #tpu.memory_space<hbm>> -> memref<1600x32xf32, #tpu.memory_space<hbm>>
      tpu.enqueue_dma source(%arg7 : memref<1600x32xf32, #tpu.memory_space<vmem>>) target(%dma_start3A_78 : memref<1600x32xf32, #tpu.memory_space<hbm>>) target_semaphore(%arg11 : memref<!tpu.dma_semaphore, #tpu.memory_space<semaphore_mem>>)
    }
    %scan3A_6 = arith.constant 2 : i32
    %dma_wait3A = arith.constant 0 : i32
    %dma_wait3A_7 = tpu.memref_slice %arg4[%mul3A_2, %dma_wait3A] : memref<204800x32xf32, #tpu.memory_space<hbm>> -> memref<1600x32xf32, #tpu.memory_space<hbm>>
    %dma_wait3A_8 = arith.constant 0 : i32
    %dma_wait3A_9 = tpu.memref_slice %arg4[%mul3A_2, %dma_wait3A_8] : memref<204800x32xf32, #tpu.memory_space<hbm>> -> memref<1600x32xf32, #tpu.memory_space<hbm>>
    tpu.wait_dma2 semaphore(%arg10 : memref<!tpu.dma_semaphore, #tpu.memory_space<semaphore_mem>>) src(%arg6 : memref<1600x32xf32, #tpu.memory_space<vmem>>) dst(%dma_wait3A_9 : memref<1600x32xf32, #tpu.memory_space<hbm>>)
    %dma_wait3A_10 = arith.constant 0 : i32
    %dma_wait3A_11 = tpu.memref_slice %arg4[%mul3A_2, %dma_wait3A_10] : memref<204800x32xf32, #tpu.memory_space<hbm>> -> memref<1600x32xf32, #tpu.memory_space<hbm>>
    %dma_wait3A_12 = arith.constant 0 : i32
    %dma_wait3A_13 = tpu.memref_slice %arg4[%mul3A_2, %dma_wait3A_12] : memref<204800x32xf32, #tpu.memory_space<hbm>> -> memref<1600x32xf32, #tpu.memory_space<hbm>>
    tpu.wait_dma2 semaphore(%arg11 : memref<!tpu.dma_semaphore, #tpu.memory_space<semaphore_mem>>) src(%arg7 : memref<1600x32xf32, #tpu.memory_space<vmem>>) dst(%dma_wait3A_13 : memref<1600x32xf32, #tpu.memory_space<hbm>>)
    return
  }
}

#map = affine_map<(d0, d1) -> (0, 0, 0)>
#map1 = affine_map<(d0, d1) -> (0, 0)>
module attributes {stable_mosaic.version = 14 : i64} {
  func.func @_sc_gather(%arg0: i32, %arg1: i32, %arg2: memref<32x4x1600xi32, #tpu.memory_space<hbm>>, %arg3: memref<1000000x32xf32, #tpu.memory_space<hbm>>, %arg4: memref<204800x32xf32, #tpu.memory_space<hbm>>, %arg5: memref<4x1600xi32, #tpu.memory_space<vmem>>, %arg6: memref<1600x32xf32, #tpu.memory_space<vmem>>, %arg7: memref<1600x32xf32, #tpu.memory_space<vmem>>, %arg8: memref<!tpu.dma_semaphore, #tpu.memory_space<semaphore_mem>>, %arg9: memref<!tpu.dma_semaphore, #tpu.memory_space<semaphore_mem>>, %arg10: memref<!tpu.dma_semaphore, #tpu.memory_space<semaphore_mem>>, %arg11: memref<!tpu.dma_semaphore, #tpu.memory_space<semaphore_mem>>) attributes {dimension_semantics = [#tpu.dimension_semantics<core_parallel>, #tpu.dimension_semantics<subcore_parallel>], iteration_bounds = array<i64: 2, 16>, scalar_prefetch = 0 : i64, scratch_operands = 7 : i64, tpu.core_type = #tpu.core_type<sc_vector_subcore>, window_params = [{transform_indices = #map}, {transform_indices = #map1}, {transform_indices = #map1}]} {
    %mul3A = arith.constant 2 : i32
    %mul3A_0 = arith.muli %arg1, %mul3A : i32
    %add3A = arith.addi %mul3A_0, %arg0 : i32
    %mul3A_1 = arith.constant 6400 : i32
    %mul3A_2 = arith.muli %add3A, %mul3A_1 : i32
    "tpu.region"() ({
      %run_scoped3A = tpu.sem_alloc : memref<!tpu.dma_semaphore, #tpu.memory_space<semaphore_mem>>
      %dma_start3A = arith.constant 0 : i32
      %dma_start3A_14 = arith.constant 0 : i32
      %dma_start3A_15 = tpu.memref_slice %arg2[%add3A, %dma_start3A, %dma_start3A_14] : memref<32x4x1600xi32, #tpu.memory_space<hbm>> -> memref<1x4x1600xi32, #tpu.memory_space<hbm>>
      %dma_start3A_16 = tpu.memref_squeeze %dma_start3A_15 : memref<1x4x1600xi32, #tpu.memory_space<hbm>> -> memref<4x1600xi32, #tpu.memory_space<hbm>>
      %dma_start3A_17 = arith.constant 0 : i32
      %dma_start3A_18 = arith.constant 0 : i32
      %dma_start3A_19 = tpu.memref_slice %arg2[%add3A, %dma_start3A_17, %dma_start3A_18] : memref<32x4x1600xi32, #tpu.memory_space<hbm>> -> memref<1x4x1600xi32, #tpu.memory_space<hbm>>
      %dma_start3A_20 = tpu.memref_squeeze %dma_start3A_19 : memref<1x4x1600xi32, #tpu.memory_space<hbm>> -> memref<4x1600xi32, #tpu.memory_space<hbm>>
      tpu.enqueue_dma source(%dma_start3A_20 : memref<4x1600xi32, #tpu.memory_space<hbm>>) target(%arg5 : memref<4x1600xi32, #tpu.memory_space<vmem>>) target_semaphore(%run_scoped3A : memref<!tpu.dma_semaphore, #tpu.memory_space<semaphore_mem>>)
      %dma_wait3A_21 = arith.constant 0 : i32
      %dma_wait3A_22 = arith.constant 0 : i32
      %dma_wait3A_23 = tpu.memref_slice %arg2[%add3A, %dma_wait3A_21, %dma_wait3A_22] : memref<32x4x1600xi32, #tpu.memory_space<hbm>> -> memref<1x4x1600xi32, #tpu.memory_space<hbm>>
      %dma_wait3A_24 = tpu.memref_squeeze %dma_wait3A_23 : memref<1x4x1600xi32, #tpu.memory_space<hbm>> -> memref<4x1600xi32, #tpu.memory_space<hbm>>
      %dma_wait3A_25 = arith.constant 0 : i32
      %dma_wait3A_26 = arith.constant 0 : i32
      %dma_wait3A_27 = tpu.memref_slice %arg2[%add3A, %dma_wait3A_25, %dma_wait3A_26] : memref<32x4x1600xi32, #tpu.memory_space<hbm>> -> memref<1x4x1600xi32, #tpu.memory_space<hbm>>
      %dma_wait3A_28 = tpu.memref_squeeze %dma_wait3A_27 : memref<1x4x1600xi32, #tpu.memory_space<hbm>> -> memref<4x1600xi32, #tpu.memory_space<hbm>>
      tpu.wait_dma2 semaphore(%run_scoped3A : memref<!tpu.dma_semaphore, #tpu.memory_space<semaphore_mem>>) src(%dma_wait3A_28 : memref<4x1600xi32, #tpu.memory_space<hbm>>) dst(%arg5 : memref<4x1600xi32, #tpu.memory_space<vmem>>)
      tpu.yield
    }) : () -> ()
    %scan3A = arith.constant 0 : i32
    %scan3A_3 = arith.constant 2 : i32
    %scan3A_4 = arith.addi %scan3A, %scan3A_3 : i32
    %scan3A_5 = arith.constant 1 : i32
    scf.for %scan3A_14 = %scan3A to %scan3A_4 step %scan3A_5  : i32 {
      %mul3A_15 = arith.constant 1 : i32
      %mul3A_16 = arith.muli %scan3A_14, %mul3A_15 : i32
      %add3A_17 = arith.constant 0 : i32
      %add3A_18 = arith.addi %add3A_17, %mul3A_16 : i32
      %mul3A_19 = arith.constant 2 : i32
      %mul3A_20 = arith.muli %mul3A_19, %add3A_18 : i32
      %add3A_21 = arith.constant 0 : i32
      %add3A_22 = arith.addi %mul3A_20, %add3A_21 : i32
      %gt3A = arith.constant 0 : i32
      %gt3A_23 = arith.cmpi sgt, %add3A_18, %gt3A : i32
      %convert_element_type3A = arith.extui %gt3A_23 : i1 to i32
      %cond3A = arith.constant 0 : i32
      %cond3A_24 = arith.cmpi ne, %convert_element_type3A, %cond3A : i32
      scf.if %cond3A_24 {
        %dma_wait3A_79 = arith.constant 0 : i32
        %dma_wait3A_80 = tpu.memref_slice %arg4[%mul3A_2, %dma_wait3A_79] : memref<204800x32xf32, #tpu.memory_space<hbm>> -> memref<1600x32xf32, #tpu.memory_space<hbm>>
        %dma_wait3A_81 = arith.constant 0 : i32
        %dma_wait3A_82 = tpu.memref_slice %arg4[%mul3A_2, %dma_wait3A_81] : memref<204800x32xf32, #tpu.memory_space<hbm>> -> memref<1600x32xf32, #tpu.memory_space<hbm>>
        tpu.wait_dma2 semaphore(%arg10 : memref<!tpu.dma_semaphore, #tpu.memory_space<semaphore_mem>>) src(%arg6 : memref<1600x32xf32, #tpu.memory_space<vmem>>) dst(%dma_wait3A_82 : memref<1600x32xf32, #tpu.memory_space<hbm>>)
      } else {
      }
      %dma_start3A = arith.constant 0 : i32
      %dma_start3A_25 = tpu.memref_slice %arg5[%add3A_22, %dma_start3A] : memref<4x1600xi32, #tpu.memory_space<vmem>> -> memref<1x1600xi32, #tpu.memory_space<vmem>>
      %dma_start3A_26 = tpu.memref_squeeze %dma_start3A_25 : memref<1x1600xi32, #tpu.memory_space<vmem>> -> memref<1600xi32, #tpu.memory_space<vmem>>
      %dma_start3A_27 = arith.constant 0 : i32
      %dma_start3A_28 = arith.constant 0 : i32
      %dma_start3A_29 = tpu.memref_slice %arg3[%dma_start3A_27, %dma_start3A_28] : memref<1000000x32xf32, #tpu.memory_space<hbm>> -> memref<1000000x32xf32, #tpu.memory_space<hbm>>
      tpu.enqueue_indirect_dma source(%dma_start3A_29 : memref<1000000x32xf32, #tpu.memory_space<hbm>>) target(%arg6 : memref<1600x32xf32, #tpu.memory_space<vmem>>) offsets(%dma_start3A_26 : memref<1600xi32, #tpu.memory_space<vmem>>) semaphore(%arg8 : memref<!tpu.dma_semaphore, #tpu.memory_space<semaphore_mem>>)
      %mul3A_30 = arith.constant 2 : i32
      %mul3A_31 = arith.muli %mul3A_30, %add3A_18 : i32
      %add3A_32 = arith.constant 1 : i32
      %add3A_33 = arith.addi %mul3A_31, %add3A_32 : i32
      %gt3A_34 = arith.constant 0 : i32
      %gt3A_35 = arith.cmpi sgt, %add3A_18, %gt3A_34 : i32
      %convert_element_type3A_36 = arith.extui %gt3A_35 : i1 to i32
      %cond3A_37 = arith.constant 0 : i32
      %cond3A_38 = arith.cmpi ne, %convert_element_type3A_36, %cond3A_37 : i32
      scf.if %cond3A_38 {
        %dma_wait3A_79 = arith.constant 0 : i32
        %dma_wait3A_80 = tpu.memref_slice %arg4[%mul3A_2, %dma_wait3A_79] : memref<204800x32xf32, #tpu.memory_space<hbm>> -> memref<1600x32xf32, #tpu.memory_space<hbm>>
        %dma_wait3A_81 = arith.constant 0 : i32
        %dma_wait3A_82 = tpu.memref_slice %arg4[%mul3A_2, %dma_wait3A_81] : memref<204800x32xf32, #tpu.memory_space<hbm>> -> memref<1600x32xf32, #tpu.memory_space<hbm>>
        tpu.wait_dma2 semaphore(%arg11 : memref<!tpu.dma_semaphore, #tpu.memory_space<semaphore_mem>>) src(%arg7 : memref<1600x32xf32, #tpu.memory_space<vmem>>) dst(%dma_wait3A_82 : memref<1600x32xf32, #tpu.memory_space<hbm>>)
      } else {
      }
      %dma_start3A_39 = arith.constant 0 : i32
      %dma_start3A_40 = tpu.memref_slice %arg5[%add3A_33, %dma_start3A_39] : memref<4x1600xi32, #tpu.memory_space<vmem>> -> memref<1x1600xi32, #tpu.memory_space<vmem>>
      %dma_start3A_41 = tpu.memref_squeeze %dma_start3A_40 : memref<1x1600xi32, #tpu.memory_space<vmem>> -> memref<1600xi32, #tpu.memory_space<vmem>>
      %dma_start3A_42 = arith.constant 0 : i32
      %dma_start3A_43 = arith.constant 0 : i32
      %dma_start3A_44 = tpu.memref_slice %arg3[%dma_start3A_42, %dma_start3A_43] : memref<1000000x32xf32, #tpu.memory_space<hbm>> -> memref<1000000x32xf32, #tpu.memory_space<hbm>>
      tpu.enqueue_indirect_dma source(%dma_start3A_44 : memref<1000000x32xf32, #tpu.memory_space<hbm>>) target(%arg7 : memref<1600x32xf32, #tpu.memory_space<vmem>>) offsets(%dma_start3A_41 : memref<1600xi32, #tpu.memory_space<vmem>>) semaphore(%arg9 : memref<!tpu.dma_semaphore, #tpu.memory_space<semaphore_mem>>)
      %mul3A_45 = arith.constant 2 : i32
      %mul3A_46 = arith.muli %mul3A_45, %add3A_18 : i32
      %add3A_47 = arith.constant 0 : i32
      %add3A_48 = arith.addi %mul3A_46, %add3A_47 : i32
      %dma_wait3A_49 = arith.constant 0 : i32
      %dma_wait3A_50 = tpu.memref_slice %arg5[%add3A_48, %dma_wait3A_49] : memref<4x1600xi32, #tpu.memory_space<vmem>> -> memref<1x1600xi32, #tpu.memory_space<vmem>>
      %dma_wait3A_51 = tpu.memref_squeeze %dma_wait3A_50 : memref<1x1600xi32, #tpu.memory_space<vmem>> -> memref<1600xi32, #tpu.memory_space<vmem>>
      %dma_wait3A_52 = arith.constant 0 : i32
      %dma_wait3A_53 = arith.constant 0 : i32
      %dma_wait3A_54 = tpu.memref_slice %arg3[%dma_wait3A_52, %dma_wait3A_53] : memref<1000000x32xf32, #tpu.memory_space<hbm>> -> memref<1000000x32xf32, #tpu.memory_space<hbm>>
      tpu.wait_indirect_dma semaphore(%arg8 : memref<!tpu.dma_semaphore, #tpu.memory_space<semaphore_mem>>) src(%dma_wait3A_54 : memref<1000000x32xf32, #tpu.memory_space<hbm>>) dst(%arg6 : memref<1600x32xf32, #tpu.memory_space<vmem>>)
      %mul3A_55 = arith.constant 1600 : i32
      %mul3A_56 = arith.muli %add3A_48, %mul3A_55 : i32
      %add3A_57 = arith.addi %mul3A_2, %mul3A_56 : i32
      %dma_start3A_58 = arith.constant 0 : i32
      %dma_start3A_59 = tpu.memref_slice %arg4[%add3A_57, %dma_start3A_58] : memref<204800x32xf32, #tpu.memory_space<hbm>> -> memref<1600x32xf32, #tpu.memory_space<hbm>>
      %dma_start3A_60 = arith.constant 0 : i32
      %dma_start3A_61 = tpu.memref_slice %arg4[%add3A_57, %dma_start3A_60] : memref<204800x32xf32, #tpu.memory_space<hbm>> -> memref<1600x32xf32, #tpu.memory_space<hbm>>
      tpu.enqueue_dma source(%arg6 : memref<1600x32xf32, #tpu.memory_space<vmem>>) target(%dma_start3A_61 : memref<1600x32xf32, #tpu.memory_space<hbm>>) target_semaphore(%arg10 : memref<!tpu.dma_semaphore, #tpu.memory_space<semaphore_mem>>)
      %mul3A_62 = arith.constant 2 : i32
      %mul3A_63 = arith.muli %mul3A_62, %add3A_18 : i32
      %add3A_64 = arith.constant 1 : i32
      %add3A_65 = arith.addi %mul3A_63, %add3A_64 : i32
      %dma_wait3A_66 = arith.constant 0 : i32
      %dma_wait3A_67 = tpu.memref_slice %arg5[%add3A_65, %dma_wait3A_66] : memref<4x1600xi32, #tpu.memory_space<vmem>> -> memref<1x1600xi32, #tpu.memory_space<vmem>>
      %dma_wait3A_68 = tpu.memref_squeeze %dma_wait3A_67 : memref<1x1600xi32, #tpu.memory_space<vmem>> -> memref<1600xi32, #tpu.memory_space<vmem>>
      %dma_wait3A_69 = arith.constant 0 : i32
      %dma_wait3A_70 = arith.constant 0 : i32
      %dma_wait3A_71 = tpu.memref_slice %arg3[%dma_wait3A_69, %dma_wait3A_70] : memref<1000000x32xf32, #tpu.memory_space<hbm>> -> memref<1000000x32xf32, #tpu.memory_space<hbm>>
      tpu.wait_indirect_dma semaphore(%arg9 : memref<!tpu.dma_semaphore, #tpu.memory_space<semaphore_mem>>) src(%dma_wait3A_71 : memref<1000000x32xf32, #tpu.memory_space<hbm>>) dst(%arg7 : memref<1600x32xf32, #tpu.memory_space<vmem>>)
      %mul3A_72 = arith.constant 1600 : i32
      %mul3A_73 = arith.muli %add3A_65, %mul3A_72 : i32
      %add3A_74 = arith.addi %mul3A_2, %mul3A_73 : i32
      %dma_start3A_75 = arith.constant 0 : i32
      %dma_start3A_76 = tpu.memref_slice %arg4[%add3A_74, %dma_start3A_75] : memref<204800x32xf32, #tpu.memory_space<hbm>> -> memref<1600x32xf32, #tpu.memory_space<hbm>>
      %dma_start3A_77 = arith.constant 0 : i32
      %dma_start3A_78 = tpu.memref_slice %arg4[%add3A_74, %dma_start3A_77] : memref<204800x32xf32, #tpu.memory_space<hbm>> -> memref<1600x32xf32, #tpu.memory_space<hbm>>
      tpu.enqueue_dma source(%arg7 : memref<1600x32xf32, #tpu.memory_space<vmem>>) target(%dma_start3A_78 : memref<1600x32xf32, #tpu.memory_space<hbm>>) target_semaphore(%arg11 : memref<!tpu.dma_semaphore, #tpu.memory_space<semaphore_mem>>)
    }
    %scan3A_6 = arith.constant 2 : i32
    %dma_wait3A = arith.constant 0 : i32
    %dma_wait3A_7 = tpu.memref_slice %arg4[%mul3A_2, %dma_wait3A] : memref<204800x32xf32, #tpu.memory_space<hbm>> -> memref<1600x32xf32, #tpu.memory_space<hbm>>
    %dma_wait3A_8 = arith.constant 0 : i32
    %dma_wait3A_9 = tpu.memref_slice %arg4[%mul3A_2, %dma_wait3A_8] : memref<204800x32xf32, #tpu.memory_space<hbm>> -> memref<1600x32xf32, #tpu.memory_space<hbm>>
    tpu.wait_dma2 semaphore(%arg10 : memref<!tpu.dma_semaphore, #tpu.memory_space<semaphore_mem>>) src(%arg6 : memref<1600x32xf32, #tpu.memory_space<vmem>>) dst(%dma_wait3A_9 : memref<1600x32xf32, #tpu.memory_space<hbm>>)
    %dma_wait3A_10 = arith.constant 0 : i32
    %dma_wait3A_11 = tpu.memref_slice %arg4[%mul3A_2, %dma_wait3A_10] : memref<204800x32xf32, #tpu.memory_space<hbm>> -> memref<1600x32xf32, #tpu.memory_space<hbm>>
    %dma_wait3A_12 = arith.constant 0 : i32
    %dma_wait3A_13 = tpu.memref_slice %arg4[%mul3A_2, %dma_wait3A_12] : memref<204800x32xf32, #tpu.memory_space<hbm>> -> memref<1600x32xf32, #tpu.memory_space<hbm>>
    tpu.wait_dma2 semaphore(%arg11 : memref<!tpu.dma_semaphore, #tpu.memory_space<semaphore_mem>>) src(%arg7 : memref<1600x32xf32, #tpu.memory_space<vmem>>) dst(%dma_wait3A_13 : memref<1600x32xf32, #tpu.memory_space<hbm>>)
    return
  }
}

</mosaic_0001>

<sc_bundles>
// kernel: kernel.12.cloned.1.call-start
scs
__scs_entry_jumppad:
0x0: {  	(pc) =	sbr.rel $0x88, $3  }
0x1: {  	(tag) =	ssettag $0x0;
	lr =	simm.s32 $0x1  }
0x2: {  	[smem:$0x3F9F] =	sst lr;
	_ =	strace $0xD0000000  }
0x3: {  	_ = 	snop  }
0x4: {  	_ = 	snop  }
0x5: {  	_ = 	snop  }
0x6: {  	_ = 	snop  }
0x7: {  	_ = 	snop  }
__scs_overlays_trampoline_lowered:
0x8: {  	[smem:$0x3FAE] =	sst s0  }
0x9: {  	[smem:$0x3FAF] =	sst s1  }
0xa: {  	[smem:$0x3FB0] =	sst s2  }
0xb: {  	[smem:$0x3FB1] =	sst s3  }
0xc: {  	[smem:$0x3FB2] =	sst s4  }
0xd: {  	[smem:$0x3FB3] =	sst s5  }
0xe: {  	[smem:$0x3FB4] =	sst s6  }
0xf: {  	[smem:$0x3FB5] =	sst s7  }
0x10: {  	[smem:$0x3FB6] =	sst s8  }
0x11: {  	[smem:$0x3FB7] =	sst s9;
	s0 =	simm.s32 @!p0 $0x0  }
0x12: {  	s1 =	sld [smem:$0x3F9D];
	s0 =	simm.s32 @p0 $0x1  }
0x13: {  	[smem:$0x3FB8] =	sst s0;
	s0 =	simm.s32 @!p1 $0x0  }
0x14: {  	s2 =	sld [smem:$0x3F9C];
	s0 =	simm.s32 @p1 $0x1  }
0x15: {  	[smem:$0x3FB9] =	sst s0;
	s0 =	simm.s32 @!p2 $0x0  }
0x16: {  	s3 =	sld [smem:$0x3FDB];
	s0 =	simm.s32 @p2 $0x1  }
0x17: {  	s4 =	simm.s32 $0x1BF5;
	[smem:$0x3FBB] =	sst s0  }
0x18: {  	s0 =	sld [smem:$0x3F9E];
	_ =	swait.ge [sflag:s4], $0x0  }
0x19: {  	s7 =	sld [smem:$0x3F9F]  }
0x1a: {  	s8 =	sadd.s32 $0xFFFFE003, lr  }
0x1b: {  	s9 =	sadd.s32 $0xFFFFFEF7, lr;
	s5 =	simm.s32 $0xFFFFFFFF;
	p2 =	slt.u32 s8, $0xFFFFF086  }
0x1c: {  	p1 =	slt.u32 s9, $0xF7A;
	s5 =	simm.s32 @!p2 $0x0  }
0x1d: {  	s5 =	simm.s32 @p1 $0x1;
	p0 =	seq.s32 s7, s2  }
0x1e: {  	s7 =	smul.u32 @!p0 $0xF7A, s2;
	p2 =	seq.s32 @!p0 s5, $0x0  }
0x1f: {  	s9 =	smul.u32 $0xF7A, s1;
	s8 =	simm.s32 @!p0 $0x1BF5;
	p2 =	por !p2, p0  }
0x20: {  	[sflag:s8] =	ssyncset.s32 @!p0 $0xFFFFF086;
	s6 =	sadd.s32 @!p0 s3, s7;
	s7 =	simm.s32 @!p0 $0x108  }
0x21: {  	s3 =	sadd.s32 s3, s9;
	s6 =	sadd.s32 @!p0 $0x88, s6;
	s7 =	simm.s32 @p2 $0x1082  }
0x22: {  	[simem:s7], [sflag:s8] =	dma.local @!p0 [hbm:s6], $0xF7A  }
0x23: {  	s9 =	sor.u32 $0xD0000000, s2;
	s6 =	simm.s32 $0x108;
	_ =	swait.ge @!p0 [sflag:s8], $0x0  }
0x24: {  	s3 =	sadd.s32 $0x88, s3;
	s6 =	simm.s32 @!p1 $0x1082;
	[sflag:s4] =	ssyncset.s32 $0xFFFFF086  }
0x25: {  	[simem:s6], [sflag:s4] =	dma.local [hbm:s3], $0xF7A  }
0x26: {  	[smem:$0x3F9F] =	sst s1;
	(tag) =	ssettag s2;
	_ =	strace s9  }
0x27: {  	s1 =	sld [smem:$0x3FAF]  }
0x28: {  	s2 =	sld [smem:$0x3FB0]  }
0x29: {  	s4 =	sld [smem:$0x3FB2]  }
0x2a: {  	p0 =	seq.s32 s5, $0x0;
	s5 =	sld [smem:$0x3FB3]  }
0x2b: {  	s6 =	sld [smem:$0x3FB4]  }
0x2c: {  	s7 =	sld [smem:$0x3FB5]  }
0x2d: {  	s3 =	simm.s32 $0x108;
	s8 =	sld [smem:$0x3FB6]  }
0x2e: {  	s3 =	simm.s32 @!p0 $0x1082;
	s9 =	sld [smem:$0x3FB7]  }
0x2f: {  	lr =	sadd.s32 s0, s3;
	s0 =	sld [smem:$0x3FAE]  }
0x30: {  	s3 =	sld [smem:$0x3FB1]  }
0x31: {  	[smem:$0x3FBA] =	sst s10  }
0x32: {  	s10 =	sld [smem:$0x3FB8];
	_ =	sdelay $0x3  }
0x33: {  	p0 =	seq.s32 s10, $0x1;
	s10 =	sld [smem:$0x3FBA];
	_ =	sdelay $0x3  }
0x34: {  	[smem:$0x3FBA] =	sst s10  }
0x35: {  	s10 =	sld [smem:$0x3FB9];
	_ =	sdelay $0x3  }
0x36: {  	p1 =	seq.s32 s10, $0x1;
	s10 =	sld [smem:$0x3FBA];
	_ =	sdelay $0x3  }
0x37: {  	[smem:$0x3FBA] =	sst s10  }
0x38: {  	s10 =	sld [smem:$0x3FBB]  }
0x39: {  	_ = 	snop;
	(pc) =	sbr.ind lr, $3  }
0x3a: {  	_ = 	snop  }
0x3b: {  	_ = 	snop  }
0x3c: {  	p2 =	seq.s32 s10, $0x1;
	s10 =	sld [smem:$0x3FBA]  }
0x3d: {  	_ =	shalt  }
0x3e: {  	_ =	shalt  }
0x3f: {  	_ =	shalt  }
0x40: {  	_ =	shalt  }
0x41: {  	_ =	shalt  }
0x42: {  	_ =	shalt  }
0x43: {  	_ =	shalt  }
0x44: {  	_ =	shalt  }
0x45: {  	_ =	shalt  }
0x46: {  	_ =	shalt  }
0x47: {  	_ =	shalt  }
0x48: {  	_ =	shalt  }
0x49: {  	_ =	shalt  }
0x4a: {  	_ =	shalt  }
0x4b: {  	_ =	shalt  }
0x4c: {  	_ =	shalt  }
0x4d: {  	_ =	shalt  }
0x4e: {  	_ =	shalt  }
0x4f: {  	_ =	shalt  }
0x50: {  	_ =	shalt  }
0x51: {  	_ =	shalt  }
0x52: {  	_ =	shalt  }
0x53: {  	_ =	shalt  }
0x54: {  	_ =	shalt  }
0x55: {  	_ =	shalt  }
0x56: {  	_ =	shalt  }
0x57: {  	_ =	shalt  }
0x58: {  	_ =	shalt  }
0x59: {  	_ =	shalt  }
0x5a: {  	_ =	shalt  }
0x5b: {  	_ =	shalt  }
0x5c: {  	_ =	shalt  }
0x5d: {  	_ =	shalt  }
0x5e: {  	_ =	shalt  }
0x5f: {  	_ =	shalt  }
0x60: {  	_ =	shalt  }
0x61: {  	_ =	shalt  }
0x62: {  	_ =	shalt  }
0x63: {  	_ =	shalt  }
0x64: {  	_ =	shalt  }
0x65: {  	_ =	shalt  }
0x66: {  	_ =	shalt  }
0x67: {  	_ =	shalt  }
0x68: {  	_ =	shalt  }
0x69: {  	_ =	shalt  }
0x6a: {  	_ =	shalt  }
0x6b: {  	_ =	shalt  }
0x6c: {  	_ =	shalt  }
0x6d: {  	_ =	shalt  }
0x6e: {  	_ =	shalt  }
0x6f: {  	_ =	shalt  }
0x70: {  	_ =	shalt  }
0x71: {  	_ =	shalt  }
0x72: {  	_ =	shalt  }
0x73: {  	_ =	shalt  }
0x74: {  	_ =	shalt  }
0x75: {  	_ =	shalt  }
0x76: {  	_ =	shalt  }
0x77: {  	_ =	shalt  }
0x78: {  	_ =	shalt  }
0x79: {  	_ =	shalt  }
0x7a: {  	_ =	shalt  }
0x7b: {  	_ =	shalt  }
0x7c: {  	_ =	shalt  }
0x7d: {  	_ =	shalt  }
0x7e: {  	_ =	shalt  }
0x7f: {  	_ =	shalt  }
0x80: {  	_ =	shalt  }
0x81: {  	_ =	shalt  }
0x82: {  	_ =	shalt  }
0x83: {  	_ =	shalt  }
0x84: {  	_ =	shalt  }
0x85: {  	_ =	shalt  }
0x86: {  	_ =	shalt  }
0x87: {  	_ =	shalt  }
.Lfunc_end0:
.L_simem_size_0:
called_computation.2_lowered:
.L_overlay_start_0:
0x88: {  	s2 =	sld [smem:$0x3FD9]  }
0x89: {  	s3 =	sld [smem:$0x3FFE];
	_ =	sdelay $0x1  }
0x8a: {  	s1 =	srdreg.scid  }
0x8b: {  	s0 =	sand.u32 $0x1, s1  }
0x8c: {  	s17 =	sshll.u32 s0, $0xA;
	s2 =	sadd.s32 s3, s2  }
0x8d: {  	s2 =	sadd.s32 s2, s17  }
0x8e: {  	[smem:$0x3FC6] =	sst s2  }
0x8f: {  	_ = 	snop  }
0x90: {  	(tm) =	ssettm $0x1  }
0x91: {  	s18 =	sld [smem:$0x3FFB];
	_ =	sdelay $0x3  }
0x92: {  	_ =	strace s18  }
0x93: {  	s2 =	sld [smem:$0x3FFC];
	_ =	sdelay $0x3  }
0x94: {  	_ =	strace s2  }
0x95: {  	s2 =	sld [smem:$0x3FFD];
	_ =	sdelay $0x3  }
0x96: {  	_ =	strace s2  }
0x97: {  	_ =	strace $0x8FFFFFFF  }
0x98: {  	s19 =	sld [smem:$0x3FDB];
	_ =	sdelay $0x1  }
0x99: {  	s20 =	simm.s32 $_scs_section_size  }
0x9a: {  	s4 =	simm.s32 $_size__tile_overlayer_lowered;
	s5 =	simm.s32 $_tile_overlayer_lowered  }
0x9b: {  	s6 =	simm.s32 $0x1BFF;
	s21 =	sshll.u32 s5, $0x1;
	s3 =	sadd.s32 s20, s19  }
0x9c: {  	s22 =	simm.s32 $0x0;
	s4 =	sshll.u32 s4, $0x1;
	s5 =	sadd.s32 s21, s3  }
0x9d: {  	[timem:s22], [sflag:s6] =	dma.local [hbm:s5], s4  }
0x9e: {  	_ =	swait.ge [sflag:s6], s4  }
0x9f: {  	s4 =	ssub.s32 $0x0, s4;
	[sflag:s6] =	ssyncset.done $0x0  }
0xa0: {  	[sflag:s6] =	ssyncadd.s32 s4;
	_ =	sdelay $0x1  }
0xa1: {  	s23 =	simm.s32 $0x1B8B  }
0xa2: {  	_ =	swait.ge [sflag:s23], $0x1  }
0xa3: {  	[sflag:s23] =	ssyncset.done $0x0  }
0xa4: {  	[sflag:s23] =	ssyncadd.s32 $0xFFFFFFFF  }
0xa5: {  	s4 =	sld [smem:$0x0]  }
0xa6: {  	s5 =	sand.u32 $0xFFFFFFFE, s1  }
0xa7: {  	p0 =	sne.s32 s1, s5  }
0xa8: {  	s5 =	sshll.u32 @p0 s5, $0xE  }
0xa9: {  	s5 =	sadd.s32 @p0 $0x11B8D, s5;
	s6 =	sshll.u32 @p0 s4, $0x11  }
0xaa: {  	s5 =	sor.u32 @p0 s6, s5  }
0xab: {  	[sflag:s5] =	ssyncadd.remote.s32 @p0 $0x1;
	_ =	sdelay $0x1  }
0xac: {  	s5 =	simm.s32 @p0 $0x1B8D  }
0xad: {  	_ =	swait.eq @p0 [sflag:s5], $0x1  }
0xae: {  	[sflag:s5] =	ssyncadd.s32 @p0 $0xFFFFFFFF  }
0xaf: {  	s6 =	sshll.u32 @!p0 s1, $0xE  }
0xb0: {  	s6 =	sor.u32 @!p0 $0x4000, s6;
	s5 =	simm.s32 @!p0 $0x1B8D  }
0xb1: {  	s4 =	sshll.u32 @!p0 s4, $0x11;
	s6 =	sadd.s32 @!p0 $0x11B8D, s6;
	_ =	swait.eq @!p0 [sflag:s5], $0x1  }
0xb2: {  	s4 =	sor.u32 @!p0 s4, s6;
	[sflag:s5] =	ssyncadd.s32 @!p0 $0xFFFFFFFF  }
0xb3: {  	s25 =	simm.s32 $0x1B8E;
	s24 =	sld [smem:$0x3FFE];
	[sflag:s4] =	ssyncadd.remote.s32 @!p0 $0x1  }
0xb4: {  	s26 =	simm.s32 $execute0_lowered;
	[smem:$0x3FD2] =	sst s25  }
0xb5: {  	s5 =	sshll.u32 s26, $0x1;
	_ =	strace $0x80000049;
	[dreg:$0x1] =	wrdreg $0xFFFFFFFF  }
0xb6: {  	s28 =	simm.s32 $_size_execute0_lowered;
	s3 =	sadd.s32 s3, s5;
	[dreg:$0x0] =	wrdreg $0x0  }
0xb7: {  	s5 =	sshll.u32 s28, $0x1;
	[dreg:$0x2] =	wrdreg s3  }
0xb8: {  	[dreg:$0x3] =	wrdreg s5  }
0xb9: {  	[dreg:$0x4] =	wrdreg $0xC0  }
0xba: {  	_ =	task [dreg:s22], $0x5FFFF  }
0xbb: {  	[dreg:$0x1] =	wrdreg $0xFFFFFFFF  }
0xbc: {  	[dreg:$0x0] =	wrdreg $0x60  }
0xbd: {  	[dreg:$0x2] =	wrdreg s24  }
0xbe: {  	[dreg:$0x3] =	wrdreg $0xB  }
0xbf: {  	_ =	task.clear_ibuf [dreg:s22], $0x4FFFF;
	_ =	strace $0x90000049  }
0xc0: {  	s29 =	simm.s32 $0xB;
	_ =	strace $0x8000004B  }
0xc1: {  	_ =	swait.ge [sflag:s29], $0x1  }
0xc2: {  	[sflag:s29] =	ssyncadd.s32 $0xFFFFFFFF  }
0xc3: {  	_ =	strace $0x9000004B  }
0xc4: {  	_ =	sfence  }
0xc5: {  	s30 =	sld [smem:$0x0];
	_ =	sdelay $0x2  }
0xc6: {  	s31 =	sshll.u32 s1, $0xD;
	s1 =	sshrl.u32 s1, $0x2  }
0xc7: {  	s4 =	sand.u32 $0x4000, s31;
	s1 =	sadd.s32 s1, s30  }
0xc8: {  	s0 =	sor.u32 s4, s0;
	s1 =	sshll.u32 s1, $0x11  }
0xc9: {  	s0 =	sor.u32 s1, s0  }
0xca: {  	s0 =	sadd.s32 $0x8F2B, s0  }
0xcb: {  	[sflag:s0] =	ssyncadd.remote.s32 $0x1  }
0xcc: {  	_ =	sfence.sel $0xFFFF  }
0xcd: {  	[dreg:$0x0] =	wrdreg $0xFFFFFFFF;
	(pc) =	sbr.abs _section_cstart, $3  }
0xce: {  	[dreg:$0x1] =	wrdreg $0xFFFFFFFF  }
0xcf: {  	_ =	task.clear_ibuf [dreg:s22], $0x2FFFF;
	_ =	strace $0x9FFFFFFF  }
0xd0: {  	(tm) =	ssettm $0x7FFFFFFF  }
0xd1: {  	_ =	shalt  }
tec
execute0_lowered:
.L_overlay_start_1:
0x0: {  	(tag) =	ssettag $0x1  }
0x1: {  	s1 =	srdreg.scid;
	s0 =	stileid.u32  }
0x2: {  	s18 =	sand.u32 $0x1, s1;
	s30 =	sshll.u32 s0, $0x1  }
0x3: {  	s8 =	sor.u32 s18, s30  }
0x4: {  	s3 =	smul.u32 $0x320, s8  }
0x5: {  	s10 =	rddreg [dreg:$0x0];
	s2 =	simm.s32 $0x0  }
0x6: {  	s4 =	simm.s32 $0x5;
	[smem:$0x7FF] =	sst s2;
	s3 =	sadd.s32 s3, s10  }
0x7: {  	s1 =	rddreg [dreg:$0x1];
	_ =	strace $0x8000004A;
	s3 =	sadd.s32 $0xD1A00, s3  }
0x8: {  	[tilespmem:s2], [sflag:$0x5] =	stream.linear.gather [hbm4b:s3+s2], $0x1900, $0x38;
	[tilespmem:$0x1A900] =	vst v63  }
0x9: {  	_ =	swait.ge [sflag:s4], $0x1900  }
0xa: {  	s6 =	simm.s32 $0x640;
	[sflag:s4] =	ssyncset.done $0x0  }
0xb: {  	s7 =	simm.s32 $0x1900;
	s5 =	sadd.s32 $0xF45A00, s10;
	[sflag:s4] =	ssyncadd.s32 $0xFFFFE700  }
0xc: {  	[tilespmem:s7], [sflag:$0x1] =	stream.indirect.gather [hbm4b:s5+s6], $0x20, s2, s6, $0xb8;
	[tilespmem:$0x1A900] =	vst v63  }
0xd: {  	s9 =	simm.s32 $0x1;
	s11 =	smul.u32 $0x6400, s8;
	s8 =	simm.s32 $0xE100  }
0xe: {  	[tilespmem:s8], [sflag:$0x2] =	stream.indirect.gather [hbm4b:s5+s6], $0x20, s6, s6, $0xb8;
	[tilespmem:$0x1A900] =	vst v63  }
0xf: {  	_ =	swait.ge [sflag:s9], $0xC800  }
0x10: {  	s19 =	sadd.s32 s11, s10;
	[sflag:s9] =	ssyncset.done $0x0  }
0x11: {  	s11 =	simm.s32 $0x2;
	s10 =	sadd.s32 $0xD7E00, s19;
	[sflag:s9] =	ssyncadd.s32 $0xFFFF3800  }
0x12: {  	[hbm4b:s10+s2] =	stream.linear.scatter [tilespmem:s7], [sflag:$0x3], $0xC800, $0x38;
	[tilespmem:$0x1A900] =	vst v63  }
0x13: {  	_ =	swait.ge [sflag:s11], $0xC800  }
0x14: {  	[sflag:s11] =	ssyncset.done $0x0  }
0x15: {  	s13 =	simm.s32 $0x3;
	s12 =	sadd.s32 $0xD9700, s19;
	[sflag:s11] =	ssyncadd.s32 $0xFFFF3800  }
0x16: {  	[hbm4b:s12+s2] =	stream.linear.scatter [tilespmem:s8], [sflag:$0x4], $0xC800, $0x38;
	[tilespmem:$0x1A900] =	vst v63  }
0x17: {  	_ =	swait.ge [sflag:s13], $0xC800  }
0x18: {  	[sflag:s13] =	ssyncset.done $0x0  }
0x19: {  	s15 =	simm.s32 $0xC80;
	s14 =	simm.s32 $0x4;
	[sflag:s13] =	ssyncadd.s32 $0xFFFF3800  }
0x1a: {  	[tilespmem:s7], [sflag:$0x1] =	stream.indirect.gather [hbm4b:s5+s6], $0x20, s15, s6, $0xb8;
	[tilespmem:$0x1A900] =	vst v63  }
0x1b: {  	_ =	swait.ge [sflag:s14], $0xC800  }
0x1c: {  	[sflag:s14] =	ssyncset.done $0x0  }
0x1d: {  	s16 =	simm.s32 $0x12C0;
	[sflag:s14] =	ssyncadd.s32 $0xFFFF3800  }
0x1e: {  	[tilespmem:s8], [sflag:$0x2] =	stream.indirect.gather [hbm4b:s5+s6], $0x20, s16, s6, $0xb8;
	[tilespmem:$0x1A900] =	vst v63  }
0x1f: {  	_ =	swait.ge [sflag:s9], $0xC800  }
0x20: {  	s20 =	ssub.s32 $0x2, s18;
	[sflag:s9] =	ssyncset.done $0x0  }
0x21: {  	s31 =	sshrl.u32 s20, $0x1;
	s17 =	sadd.s32 $0xDB000, s19;
	[sflag:s9] =	ssyncadd.s32 $0xFFFF3800  }
0x22: {  	[hbm4b:s17+s2] =	stream.linear.scatter [tilespmem:s7], [sflag:$0x3], $0xC800, $0x38;
	[tilespmem:$0x1A900] =	vst v63  }
0x23: {  	s18 =	sadd.s32 $0xDC900, s19;
	s19 =	ssub.s32 s20, s31;
	_ =	swait.ge [sflag:s11], $0xC800  }
0x24: {  	s19 =	smax.u32 s19, $0x1;
	[sflag:s11] =	ssyncset.done $0x0  }
0x25: {  	p0 =	sne.s32 s19, $0x1;
	[sflag:s11] =	ssyncadd.s32 $0xFFFF3800  }
0x26: {  	[hbm4b:s18+s2] =	stream.linear.scatter [tilespmem:s8], [sflag:$0x4], $0xC800, $0x38;
	[tilespmem:$0x1A900] =	vst v63  }
.Ltmp0:
0x27: {  	_ =	swait.ge [sflag:s13], $0xC800;
	(pc) =	sbr.rel @!p0 .LBB2_2-.Ltmp0, $4  }
0x28: {  	[sflag:s13] =	ssyncset.done $0x0  }
0x29: {  	[sflag:s13] =	ssyncadd.s32 $0xFFFF3800  }
0x2a: {  	_ =	swait.ge [sflag:s14], $0xC800  }
0x2b: {  	s19 =	sadd.s32 $0xFFFFFFFF, s19;
	[sflag:s14] =	ssyncset.done $0x0  }
.LBB2_1:
0x2c: {  	p0 =	sne.s32 s19, $0x1;
	s19 =	sadd.s32 $0xFFFFFFFF, s19;
	[sflag:s14] =	ssyncadd.s32 $0xFFFF3800  }
0x2d: {  	[tilespmem:s2], [sflag:$0x5] =	stream.linear.gather [hbm4b:s3+s2], $0x1900, $0x38;
	[tilespmem:$0x1A900] =	vst v63  }
0x2e: {  	_ =	swait.ge [sflag:s4], $0x1900  }
0x2f: {  	[sflag:s4] =	ssyncset.done $0x0  }
0x30: {  	[sflag:s4] =	ssyncadd.s32 $0xFFFFE700  }
0x31: {  	[tilespmem:s7], [sflag:$0x1] =	stream.indirect.gather [hbm4b:s5+s6], $0x20, s2, s6, $0xb8;
	[tilespmem:$0x1A900] =	vst v63  }
0x32: {  	_ = 	snop  }
0x33: {  	[tilespmem:s8], [sflag:$0x2] =	stream.indirect.gather [hbm4b:s5+s6], $0x20, s6, s6, $0xb8;
	[tilespmem:$0x1A900] =	vst v63  }
0x34: {  	_ =	swait.ge [sflag:s9], $0xC800  }
0x35: {  	[sflag:s9] =	ssyncset.done $0x0  }
0x36: {  	[sflag:s9] =	ssyncadd.s32 $0xFFFF3800  }
0x37: {  	[hbm4b:s10+s2] =	stream.linear.scatter [tilespmem:s7], [sflag:$0x3], $0xC800, $0x38;
	[tilespmem:$0x1A900] =	vst v63  }
0x38: {  	_ =	swait.ge [sflag:s11], $0xC800  }
0x39: {  	[sflag:s11] =	ssyncset.done $0x0  }
0x3a: {  	[sflag:s11] =	ssyncadd.s32 $0xFFFF3800  }
0x3b: {  	[hbm4b:s12+s2] =	stream.linear.scatter [tilespmem:s8], [sflag:$0x4], $0xC800, $0x38;
	[tilespmem:$0x1A900] =	vst v63  }
0x3c: {  	_ =	swait.ge [sflag:s13], $0xC800  }
0x3d: {  	[sflag:s13] =	ssyncset.done $0x0  }
0x3e: {  	[sflag:s13] =	ssyncadd.s32 $0xFFFF3800  }
0x3f: {  	[tilespmem:s7], [sflag:$0x1] =	stream.indirect.gather [hbm4b:s5+s6], $0x20, s15, s6, $0xb8;
	[tilespmem:$0x1A900] =	vst v63  }
0x40: {  	_ =	swait.ge [sflag:s14], $0xC800  }
0x41: {  	[sflag:s14] =	ssyncset.done $0x0  }
0x42: {  	[sflag:s14] =	ssyncadd.s32 $0xFFFF3800  }
0x43: {  	[tilespmem:s8], [sflag:$0x2] =	stream.indirect.gather [hbm4b:s5+s6], $0x20, s16, s6, $0xb8;
	[tilespmem:$0x1A900] =	vst v63  }
0x44: {  	_ =	swait.ge [sflag:s9], $0xC800  }
0x45: {  	[sflag:s9] =	ssyncset.done $0x0  }
0x46: {  	[sflag:s9] =	ssyncadd.s32 $0xFFFF3800  }
0x47: {  	[hbm4b:s17+s2] =	stream.linear.scatter [tilespmem:s7], [sflag:$0x3], $0xC800, $0x38;
	[tilespmem:$0x1A900] =	vst v63  }
0x48: {  	_ =	swait.ge [sflag:s11], $0xC800  }
0x49: {  	[sflag:s11] =	ssyncset.done $0x0  }
0x4a: {  	[sflag:s11] =	ssyncadd.s32 $0xFFFF3800  }
0x4b: {  	[hbm4b:s18+s2] =	stream.linear.scatter [tilespmem:s8], [sflag:$0x4], $0xC800, $0x38;
	[tilespmem:$0x1A900] =	vst v63  }
.Ltmp1:
0x4c: {  	_ =	swait.ge [sflag:s13], $0xC800;
	(pc) =	sbr.rel @p0 .LBB2_1-.Ltmp1, $4  }
0x4d: {  	[sflag:s13] =	ssyncset.done $0x0  }
0x4e: {  	[sflag:s13] =	ssyncadd.s32 $0xFFFF3800  }
0x4f: {  	_ =	swait.ge [sflag:s14], $0xC800  }
0x50: {  	[sflag:s14] =	ssyncset.done $0x0  }
.LBB2_2:
0x51: {  	[sflag:s14] =	ssyncadd.s32 $0xFFFF3800  }
0x52: {  	_ =	sfence.sel $0x180000  }
0x53: {  	[bflag:$0x0] =	sbarrier.arrive $0xFFFF  }
0x54: {  	p0 =	sne.s32 s0, $0x0;
	_ =	strace $0x9000004A  }
0x55: {  	s0 =	sadd.s32 @!p0 $0x100000, s1;
	[bflag:$0x2] =	sbarrier.arrive $0xFFFF  }
0x56: {  	[sflag:s0] =	ssyncadd.tile.s32 @!p0 $0x1;
	_ =	shalt  }
.Lfunc_end2:
_tile_overlayer_lowered:
.L_overlay_start_2:
0x57: {  	(tag) =	ssettag $0x2  }
0x58: {  	s0 =	rddreg [dreg:$0x0];
	s2 =	stileid.u32  }
0x59: {  	s1 =	rddreg [dreg:$0x1];
	p0 =	sne.s32 s2, $0x0  }
0x5a: {  	s3 =	rddreg [dreg:$0x2];
	[bflag:$0x3] =	sbarrier.arrive $0xFFFF;
	s2 =	simm.s32 @!p0 $0x1C05  }
0x5b: {  	[timem:s3], [sflag:s2] =	dma.local @!p0 [hbm:s0], s1  }
0x5c: {  	s0 =	simm.s32 @!p0 $0x5  }
0x5d: {  	_ =	swait.ge @!p0 [sflag:s0], s1  }
0x5e: {  	s1 =	ssub.s32 @!p0 $0x0, s1;
	[sflag:s0] =	ssyncset.done @!p0 $0x0  }
0x5f: {  	[sflag:s0] =	ssyncadd.s32 @!p0 s1  }
0x60: {  	[bflag:$0x3] =	sbarrier.arrive $0xFFFF  }
0x61: {  	_ =	shalt  }

// kernel: kernel.15.cloned.1.call-start
scs
__scs_entry_jumppad:
0x0: {  	(pc) =	sbr.rel $0x88, $3  }
0x1: {  	(tag) =	ssettag $0x0;
	lr =	simm.s32 $0x1  }
0x2: {  	[smem:$0x3F9F] =	sst lr;
	_ =	strace $0xD0000000  }
0x3: {  	_ = 	snop  }
0x4: {  	_ = 	snop  }
0x5: {  	_ = 	snop  }
0x6: {  	_ = 	snop  }
0x7: {  	_ = 	snop  }
__scs_overlays_trampoline_lowered:
0x8: {  	[smem:$0x3FAE] =	sst s0  }
0x9: {  	[smem:$0x3FAF] =	sst s1  }
0xa: {  	[smem:$0x3FB0] =	sst s2  }
0xb: {  	[smem:$0x3FB1] =	sst s3  }
0xc: {  	[smem:$0x3FB2] =	sst s4  }
0xd: {  	[smem:$0x3FB3] =	sst s5  }
0xe: {  	[smem:$0x3FB4] =	sst s6  }
0xf: {  	[smem:$0x3FB5] =	sst s7  }
0x10: {  	[smem:$0x3FB6] =	sst s8  }
0x11: {  	[smem:$0x3FB7] =	sst s9;
	s0 =	simm.s32 @!p0 $0x0  }
0x12: {  	s1 =	sld [smem:$0x3F9D];
	s0 =	simm.s32 @p0 $0x1  }
0x13: {  	[smem:$0x3FB8] =	sst s0;
	s0 =	simm.s32 @!p1 $0x0  }
0x14: {  	s2 =	sld [smem:$0x3F9C];
	s0 =	simm.s32 @p1 $0x1  }
0x15: {  	[smem:$0x3FB9] =	sst s0;
	s0 =	simm.s32 @!p2 $0x0  }
0x16: {  	s3 =	sld [smem:$0x3FDB];
	s0 =	simm.s32 @p2 $0x1  }
0x17: {  	s4 =	simm.s32 $0x1BF5;
	[smem:$0x3FBB] =	sst s0  }
0x18: {  	s0 =	sld [smem:$0x3F9E];
	_ =	swait.ge [sflag:s4], $0x0  }
0x19: {  	s7 =	sld [smem:$0x3F9F]  }
0x1a: {  	s8 =	sadd.s32 $0xFFFFE003, lr  }
0x1b: {  	s9 =	sadd.s32 $0xFFFFFEF7, lr;
	s5 =	simm.s32 $0xFFFFFFFF;
	p2 =	slt.u32 s8, $0xFFFFF086  }
0x1c: {  	p1 =	slt.u32 s9, $0xF7A;
	s5 =	simm.s32 @!p2 $0x0  }
0x1d: {  	s5 =	simm.s32 @p1 $0x1;
	p0 =	seq.s32 s7, s2  }
0x1e: {  	s7 =	smul.u32 @!p0 $0xF7A, s2;
	p2 =	seq.s32 @!p0 s5, $0x0  }
0x1f: {  	s9 =	smul.u32 $0xF7A, s1;
	s8 =	simm.s32 @!p0 $0x1BF5;
	p2 =	por !p2, p0  }
0x20: {  	[sflag:s8] =	ssyncset.s32 @!p0 $0xFFFFF086;
	s6 =	sadd.s32 @!p0 s3, s7;
	s7 =	simm.s32 @!p0 $0x108  }
0x21: {  	s3 =	sadd.s32 s3, s9;
	s6 =	sadd.s32 @!p0 $0x88, s6;
	s7 =	simm.s32 @p2 $0x1082  }
0x22: {  	[simem:s7], [sflag:s8] =	dma.local @!p0 [hbm:s6], $0xF7A  }
0x23: {  	s9 =	sor.u32 $0xD0000000, s2;
	s6 =	simm.s32 $0x108;
	_ =	swait.ge @!p0 [sflag:s8], $0x0  }
0x24: {  	s3 =	sadd.s32 $0x88, s3;
	s6 =	simm.s32 @!p1 $0x1082;
	[sflag:s4] =	ssyncset.s32 $0xFFFFF086  }
0x25: {  	[simem:s6], [sflag:s4] =	dma.local [hbm:s3], $0xF7A  }
0x26: {  	[smem:$0x3F9F] =	sst s1;
	(tag) =	ssettag s2;
	_ =	strace s9  }
0x27: {  	s1 =	sld [smem:$0x3FAF]  }
0x28: {  	s2 =	sld [smem:$0x3FB0]  }
0x29: {  	s4 =	sld [smem:$0x3FB2]  }
0x2a: {  	p0 =	seq.s32 s5, $0x0;
	s5 =	sld [smem:$0x3FB3]  }
0x2b: {  	s6 =	sld [smem:$0x3FB4]  }
0x2c: {  	s7 =	sld [smem:$0x3FB5]  }
0x2d: {  	s3 =	simm.s32 $0x108;
	s8 =	sld [smem:$0x3FB6]  }
0x2e: {  	s3 =	simm.s32 @!p0 $0x1082;
	s9 =	sld [smem:$0x3FB7]  }
0x2f: {  	lr =	sadd.s32 s0, s3;
	s0 =	sld [smem:$0x3FAE]  }
0x30: {  	s3 =	sld [smem:$0x3FB1]  }
0x31: {  	[smem:$0x3FBA] =	sst s10  }
0x32: {  	s10 =	sld [smem:$0x3FB8];
	_ =	sdelay $0x3  }
0x33: {  	p0 =	seq.s32 s10, $0x1;
	s10 =	sld [smem:$0x3FBA];
	_ =	sdelay $0x3  }
0x34: {  	[smem:$0x3FBA] =	sst s10  }
0x35: {  	s10 =	sld [smem:$0x3FB9];
	_ =	sdelay $0x3  }
0x36: {  	p1 =	seq.s32 s10, $0x1;
	s10 =	sld [smem:$0x3FBA];
	_ =	sdelay $0x3  }
0x37: {  	[smem:$0x3FBA] =	sst s10  }
0x38: {  	s10 =	sld [smem:$0x3FBB]  }
0x39: {  	_ = 	snop;
	(pc) =	sbr.ind lr, $3  }
0x3a: {  	_ = 	snop  }
0x3b: {  	_ = 	snop  }
0x3c: {  	p2 =	seq.s32 s10, $0x1;
	s10 =	sld [smem:$0x3FBA]  }
0x3d: {  	_ =	shalt  }
0x3e: {  	_ =	shalt  }
0x3f: {  	_ =	shalt  }
0x40: {  	_ =	shalt  }
0x41: {  	_ =	shalt  }
0x42: {  	_ =	shalt  }
0x43: {  	_ =	shalt  }
0x44: {  	_ =	shalt  }
0x45: {  	_ =	shalt  }
0x46: {  	_ =	shalt  }
0x47: {  	_ =	shalt  }
0x48: {  	_ =	shalt  }
0x49: {  	_ =	shalt  }
0x4a: {  	_ =	shalt  }
0x4b: {  	_ =	shalt  }
0x4c: {  	_ =	shalt  }
0x4d: {  	_ =	shalt  }
0x4e: {  	_ =	shalt  }
0x4f: {  	_ =	shalt  }
0x50: {  	_ =	shalt  }
0x51: {  	_ =	shalt  }
0x52: {  	_ =	shalt  }
0x53: {  	_ =	shalt  }
0x54: {  	_ =	shalt  }
0x55: {  	_ =	shalt  }
0x56: {  	_ =	shalt  }
0x57: {  	_ =	shalt  }
0x58: {  	_ =	shalt  }
0x59: {  	_ =	shalt  }
0x5a: {  	_ =	shalt  }
0x5b: {  	_ =	shalt  }
0x5c: {  	_ =	shalt  }
0x5d: {  	_ =	shalt  }
0x5e: {  	_ =	shalt  }
0x5f: {  	_ =	shalt  }
0x60: {  	_ =	shalt  }
0x61: {  	_ =	shalt  }
0x62: {  	_ =	shalt  }
0x63: {  	_ =	shalt  }
0x64: {  	_ =	shalt  }
0x65: {  	_ =	shalt  }
0x66: {  	_ =	shalt  }
0x67: {  	_ =	shalt  }
0x68: {  	_ =	shalt  }
0x69: {  	_ =	shalt  }
0x6a: {  	_ =	shalt  }
0x6b: {  	_ =	shalt  }
0x6c: {  	_ =	shalt  }
0x6d: {  	_ =	shalt  }
0x6e: {  	_ =	shalt  }
0x6f: {  	_ =	shalt  }
0x70: {  	_ =	shalt  }
0x71: {  	_ =	shalt  }
0x72: {  	_ =	shalt  }
0x73: {  	_ =	shalt  }
0x74: {  	_ =	shalt  }
0x75: {  	_ =	shalt  }
0x76: {  	_ =	shalt  }
0x77: {  	_ =	shalt  }
0x78: {  	_ =	shalt  }
0x79: {  	_ =	shalt  }
0x7a: {  	_ =	shalt  }
0x7b: {  	_ =	shalt  }
0x7c: {  	_ =	shalt  }
0x7d: {  	_ =	shalt  }
0x7e: {  	_ =	shalt  }
0x7f: {  	_ =	shalt  }
0x80: {  	_ =	shalt  }
0x81: {  	_ =	shalt  }
0x82: {  	_ =	shalt  }
0x83: {  	_ =	shalt  }
0x84: {  	_ =	shalt  }
0x85: {  	_ =	shalt  }
0x86: {  	_ =	shalt  }
0x87: {  	_ =	shalt  }
.Lfunc_end0:
.L_simem_size_0:
called_computation.3_lowered:
.L_overlay_start_0:
0x88: {  	s2 =	sld [smem:$0x3FD9]  }
0x89: {  	s3 =	sld [smem:$0x3FFE];
	_ =	sdelay $0x1  }
0x8a: {  	s1 =	srdreg.scid  }
0x8b: {  	s0 =	sand.u32 $0x1, s1  }
0x8c: {  	s17 =	sshll.u32 s0, $0xA;
	s2 =	sadd.s32 s3, s2  }
0x8d: {  	s2 =	sadd.s32 s2, s17  }
0x8e: {  	[smem:$0x3FC6] =	sst s2  }
0x8f: {  	_ = 	snop  }
0x90: {  	(tm) =	ssettm $0x1  }
0x91: {  	s18 =	sld [smem:$0x3FFB];
	_ =	sdelay $0x3  }
0x92: {  	_ =	strace s18  }
0x93: {  	s2 =	sld [smem:$0x3FFC];
	_ =	sdelay $0x3  }
0x94: {  	_ =	strace s2  }
0x95: {  	s2 =	sld [smem:$0x3FFD];
	_ =	sdelay $0x3  }
0x96: {  	_ =	strace s2  }
0x97: {  	_ =	strace $0x8FFFFFFF  }
0x98: {  	s19 =	sld [smem:$0x3FDB];
	_ =	sdelay $0x1  }
0x99: {  	s20 =	simm.s32 $_scs_section_size  }
0x9a: {  	s4 =	simm.s32 $_size__tile_overlayer_lowered;
	s5 =	simm.s32 $_tile_overlayer_lowered  }
0x9b: {  	s6 =	simm.s32 $0x1BFF;
	s21 =	sshll.u32 s5, $0x1;
	s3 =	sadd.s32 s20, s19  }
0x9c: {  	s22 =	simm.s32 $0x0;
	s4 =	sshll.u32 s4, $0x1;
	s5 =	sadd.s32 s21, s3  }
0x9d: {  	[timem:s22], [sflag:s6] =	dma.local [hbm:s5], s4  }
0x9e: {  	_ =	swait.ge [sflag:s6], s4  }
0x9f: {  	s4 =	ssub.s32 $0x0, s4;
	[sflag:s6] =	ssyncset.done $0x0  }
0xa0: {  	[sflag:s6] =	ssyncadd.s32 s4;
	_ =	sdelay $0x1  }
0xa1: {  	s23 =	simm.s32 $0x1B8B  }
0xa2: {  	_ =	swait.ge [sflag:s23], $0x1  }
0xa3: {  	[sflag:s23] =	ssyncset.done $0x0  }
0xa4: {  	[sflag:s23] =	ssyncadd.s32 $0xFFFFFFFF  }
0xa5: {  	s4 =	sld [smem:$0x0]  }
0xa6: {  	s5 =	sand.u32 $0xFFFFFFFE, s1  }
0xa7: {  	p0 =	sne.s32 s1, s5  }
0xa8: {  	s5 =	sshll.u32 @p0 s5, $0xE  }
0xa9: {  	s5 =	sadd.s32 @p0 $0x11B8D, s5;
	s6 =	sshll.u32 @p0 s4, $0x11  }
0xaa: {  	s5 =	sor.u32 @p0 s6, s5  }
0xab: {  	[sflag:s5] =	ssyncadd.remote.s32 @p0 $0x1;
	_ =	sdelay $0x1  }
0xac: {  	s5 =	simm.s32 @p0 $0x1B8D  }
0xad: {  	_ =	swait.eq @p0 [sflag:s5], $0x1  }
0xae: {  	[sflag:s5] =	ssyncadd.s32 @p0 $0xFFFFFFFF  }
0xaf: {  	s6 =	sshll.u32 @!p0 s1, $0xE  }
0xb0: {  	s6 =	sor.u32 @!p0 $0x4000, s6;
	s5 =	simm.s32 @!p0 $0x1B8D  }
0xb1: {  	s4 =	sshll.u32 @!p0 s4, $0x11;
	s6 =	sadd.s32 @!p0 $0x11B8D, s6;
	_ =	swait.eq @!p0 [sflag:s5], $0x1  }
0xb2: {  	s4 =	sor.u32 @!p0 s4, s6;
	[sflag:s5] =	ssyncadd.s32 @!p0 $0xFFFFFFFF  }
0xb3: {  	s25 =	simm.s32 $0x1B8E;
	s24 =	sld [smem:$0x3FFE];
	[sflag:s4] =	ssyncadd.remote.s32 @!p0 $0x1  }
0xb4: {  	s26 =	simm.s32 $execute0_lowered;
	[smem:$0x3FD2] =	sst s25  }
0xb5: {  	s5 =	sshll.u32 s26, $0x1;
	_ =	strace $0x8000004C;
	[dreg:$0x1] =	wrdreg $0xFFFFFFFF  }
0xb6: {  	s28 =	simm.s32 $_size_execute0_lowered;
	s3 =	sadd.s32 s3, s5;
	[dreg:$0x0] =	wrdreg $0x0  }
0xb7: {  	s5 =	sshll.u32 s28, $0x1;
	[dreg:$0x2] =	wrdreg s3  }
0xb8: {  	[dreg:$0x3] =	wrdreg s5  }
0xb9: {  	[dreg:$0x4] =	wrdreg $0xC0  }
0xba: {  	_ =	task [dreg:s22], $0x5FFFF  }
0xbb: {  	[dreg:$0x1] =	wrdreg $0xFFFFFFFF  }
0xbc: {  	[dreg:$0x0] =	wrdreg $0x60  }
0xbd: {  	[dreg:$0x2] =	wrdreg s24  }
0xbe: {  	[dreg:$0x3] =	wrdreg $0xC  }
0xbf: {  	_ =	task.clear_ibuf [dreg:s22], $0x4FFFF;
	_ =	strace $0x9000004C  }
0xc0: {  	s29 =	simm.s32 $0xC;
	_ =	strace $0x8000004E  }
0xc1: {  	_ =	swait.ge [sflag:s29], $0x1  }
0xc2: {  	[sflag:s29] =	ssyncadd.s32 $0xFFFFFFFF  }
0xc3: {  	_ =	strace $0x9000004E  }
0xc4: {  	_ =	sfence  }
0xc5: {  	s30 =	sld [smem:$0x0];
	_ =	sdelay $0x2  }
0xc6: {  	s31 =	sshll.u32 s1, $0xD;
	s1 =	sshrl.u32 s1, $0x2  }
0xc7: {  	s4 =	sand.u32 $0x4000, s31;
	s1 =	sadd.s32 s1, s30  }
0xc8: {  	s0 =	sor.u32 s4, s0;
	s1 =	sshll.u32 s1, $0x11  }
0xc9: {  	s0 =	sor.u32 s1, s0  }
0xca: {  	s0 =	sadd.s32 $0x8F2B, s0  }
0xcb: {  	[sflag:s0] =	ssyncadd.remote.s32 $0x1  }
0xcc: {  	_ =	sfence.sel $0xFFFF  }
0xcd: {  	[dreg:$0x0] =	wrdreg $0xFFFFFFFF;
	(pc) =	sbr.abs _section_cstart, $3  }
0xce: {  	[dreg:$0x1] =	wrdreg $0xFFFFFFFF  }
0xcf: {  	_ =	task.clear_ibuf [dreg:s22], $0x2FFFF;
	_ =	strace $0x9FFFFFFF  }
0xd0: {  	(tm) =	ssettm $0x7FFFFFFF  }
0xd1: {  	_ =	shalt  }
tec
execute0_lowered:
.L_overlay_start_1:
0x0: {  	(tag) =	ssettag $0x1  }
0x1: {  	s1 =	srdreg.scid;
	s0 =	stileid.u32  }
0x2: {  	s18 =	sand.u32 $0x1, s1;
	s30 =	sshll.u32 s0, $0x1  }
0x3: {  	s8 =	sor.u32 s18, s30  }
0x4: {  	s3 =	smul.u32 $0x320, s8  }
0x5: {  	s10 =	rddreg [dreg:$0x0];
	s2 =	simm.s32 $0x0  }
0x6: {  	s4 =	simm.s32 $0x5;
	[smem:$0x7FF] =	sst s2;
	s3 =	sadd.s32 s3, s10  }
0x7: {  	s1 =	rddreg [dreg:$0x1];
	_ =	strace $0x8000004D;
	s3 =	sadd.s32 $0x19FE00, s3  }
0x8: {  	[tilespmem:s2], [sflag:$0x5] =	stream.linear.gather [hbm4b:s3+s2], $0x1900, $0x38;
	[tilespmem:$0x1A900] =	vst v63  }
0x9: {  	_ =	swait.ge [sflag:s4], $0x1900  }
0xa: {  	s6 =	simm.s32 $0x640;
	[sflag:s4] =	ssyncset.done $0x0  }
0xb: {  	s7 =	simm.s32 $0x1900;
	s5 =	sadd.s32 $0xF45A00, s10;
	[sflag:s4] =	ssyncadd.s32 $0xFFFFE700  }
0xc: {  	[tilespmem:s7], [sflag:$0x1] =	stream.indirect.gather [hbm4b:s5+s6], $0x20, s2, s6, $0xb8;
	[tilespmem:$0x1A900] =	vst v63  }
0xd: {  	s9 =	simm.s32 $0x1;
	s11 =	smul.u32 $0x6400, s8;
	s8 =	simm.s32 $0xE100  }
0xe: {  	[tilespmem:s8], [sflag:$0x2] =	stream.indirect.gather [hbm4b:s5+s6], $0x20, s6, s6, $0xb8;
	[tilespmem:$0x1A900] =	vst v63  }
0xf: {  	_ =	swait.ge [sflag:s9], $0xC800  }
0x10: {  	s19 =	sadd.s32 s11, s10;
	[sflag:s9] =	ssyncset.done $0x0  }
0x11: {  	s11 =	simm.s32 $0x2;
	s10 =	sadd.s32 $0x1A6200, s19;
	[sflag:s9] =	ssyncadd.s32 $0xFFFF3800  }
0x12: {  	[hbm4b:s10+s2] =	stream.linear.scatter [tilespmem:s7], [sflag:$0x3], $0xC800, $0x38;
	[tilespmem:$0x1A900] =	vst v63  }
0x13: {  	_ =	swait.ge [sflag:s11], $0xC800  }
0x14: {  	[sflag:s11] =	ssyncset.done $0x0  }
0x15: {  	s13 =	simm.s32 $0x3;
	s12 =	sadd.s32 $0x1A7B00, s19;
	[sflag:s11] =	ssyncadd.s32 $0xFFFF3800  }
0x16: {  	[hbm4b:s12+s2] =	stream.linear.scatter [tilespmem:s8], [sflag:$0x4], $0xC800, $0x38;
	[tilespmem:$0x1A900] =	vst v63  }
0x17: {  	_ =	swait.ge [sflag:s13], $0xC800  }
0x18: {  	[sflag:s13] =	ssyncset.done $0x0  }
0x19: {  	s15 =	simm.s32 $0xC80;
	s14 =	simm.s32 $0x4;
	[sflag:s13] =	ssyncadd.s32 $0xFFFF3800  }
0x1a: {  	[tilespmem:s7], [sflag:$0x1] =	stream.indirect.gather [hbm4b:s5+s6], $0x20, s15, s6, $0xb8;
	[tilespmem:$0x1A900] =	vst v63  }
0x1b: {  	_ =	swait.ge [sflag:s14], $0xC800  }
0x1c: {  	[sflag:s14] =	ssyncset.done $0x0  }
0x1d: {  	s16 =	simm.s32 $0x12C0;
	[sflag:s14] =	ssyncadd.s32 $0xFFFF3800  }
0x1e: {  	[tilespmem:s8], [sflag:$0x2] =	stream.indirect.gather [hbm4b:s5+s6], $0x20, s16, s6, $0xb8;
	[tilespmem:$0x1A900] =	vst v63  }
0x1f: {  	_ =	swait.ge [sflag:s9], $0xC800  }
0x20: {  	s20 =	ssub.s32 $0x2, s18;
	[sflag:s9] =	ssyncset.done $0x0  }
0x21: {  	s31 =	sshrl.u32 s20, $0x1;
	s17 =	sadd.s32 $0x1A9400, s19;
	[sflag:s9] =	ssyncadd.s32 $0xFFFF3800  }
0x22: {  	[hbm4b:s17+s2] =	stream.linear.scatter [tilespmem:s7], [sflag:$0x3], $0xC800, $0x38;
	[tilespmem:$0x1A900] =	vst v63  }
0x23: {  	s18 =	sadd.s32 $0x1AAD00, s19;
	s19 =	ssub.s32 s20, s31;
	_ =	swait.ge [sflag:s11], $0xC800  }
0x24: {  	s19 =	smax.u32 s19, $0x1;
	[sflag:s11] =	ssyncset.done $0x0  }
0x25: {  	p0 =	sne.s32 s19, $0x1;
	[sflag:s11] =	ssyncadd.s32 $0xFFFF3800  }
0x26: {  	[hbm4b:s18+s2] =	stream.linear.scatter [tilespmem:s8], [sflag:$0x4], $0xC800, $0x38;
	[tilespmem:$0x1A900] =	vst v63  }
.Ltmp0:
0x27: {  	_ =	swait.ge [sflag:s13], $0xC800;
	(pc) =	sbr.rel @!p0 .LBB2_2-.Ltmp0, $4  }
0x28: {  	[sflag:s13] =	ssyncset.done $0x0  }
0x29: {  	[sflag:s13] =	ssyncadd.s32 $0xFFFF3800  }
0x2a: {  	_ =	swait.ge [sflag:s14], $0xC800  }
0x2b: {  	s19 =	sadd.s32 $0xFFFFFFFF, s19;
	[sflag:s14] =	ssyncset.done $0x0  }
.LBB2_1:
0x2c: {  	p0 =	sne.s32 s19, $0x1;
	s19 =	sadd.s32 $0xFFFFFFFF, s19;
	[sflag:s14] =	ssyncadd.s32 $0xFFFF3800  }
0x2d: {  	[tilespmem:s2], [sflag:$0x5] =	stream.linear.gather [hbm4b:s3+s2], $0x1900, $0x38;
	[tilespmem:$0x1A900] =	vst v63  }
0x2e: {  	_ =	swait.ge [sflag:s4], $0x1900  }
0x2f: {  	[sflag:s4] =	ssyncset.done $0x0  }
0x30: {  	[sflag:s4] =	ssyncadd.s32 $0xFFFFE700  }
0x31: {  	[tilespmem:s7], [sflag:$0x1] =	stream.indirect.gather [hbm4b:s5+s6], $0x20, s2, s6, $0xb8;
	[tilespmem:$0x1A900] =	vst v63  }
0x32: {  	_ = 	snop  }
0x33: {  	[tilespmem:s8], [sflag:$0x2] =	stream.indirect.gather [hbm4b:s5+s6], $0x20, s6, s6, $0xb8;
	[tilespmem:$0x1A900] =	vst v63  }
0x34: {  	_ =	swait.ge [sflag:s9], $0xC800  }
0x35: {  	[sflag:s9] =	ssyncset.done $0x0  }
0x36: {  	[sflag:s9] =	ssyncadd.s32 $0xFFFF3800  }
0x37: {  	[hbm4b:s10+s2] =	stream.linear.scatter [tilespmem:s7], [sflag:$0x3], $0xC800, $0x38;
	[tilespmem:$0x1A900] =	vst v63  }
0x38: {  	_ =	swait.ge [sflag:s11], $0xC800  }
0x39: {  	[sflag:s11] =	ssyncset.done $0x0  }
0x3a: {  	[sflag:s11] =	ssyncadd.s32 $0xFFFF3800  }
0x3b: {  	[hbm4b:s12+s2] =	stream.linear.scatter [tilespmem:s8], [sflag:$0x4], $0xC800, $0x38;
	[tilespmem:$0x1A900] =	vst v63  }
0x3c: {  	_ =	swait.ge [sflag:s13], $0xC800  }
0x3d: {  	[sflag:s13] =	ssyncset.done $0x0  }
0x3e: {  	[sflag:s13] =	ssyncadd.s32 $0xFFFF3800  }
0x3f: {  	[tilespmem:s7], [sflag:$0x1] =	stream.indirect.gather [hbm4b:s5+s6], $0x20, s15, s6, $0xb8;
	[tilespmem:$0x1A900] =	vst v63  }
0x40: {  	_ =	swait.ge [sflag:s14], $0xC800  }
0x41: {  	[sflag:s14] =	ssyncset.done $0x0  }
0x42: {  	[sflag:s14] =	ssyncadd.s32 $0xFFFF3800  }
0x43: {  	[tilespmem:s8], [sflag:$0x2] =	stream.indirect.gather [hbm4b:s5+s6], $0x20, s16, s6, $0xb8;
	[tilespmem:$0x1A900] =	vst v63  }
0x44: {  	_ =	swait.ge [sflag:s9], $0xC800  }
0x45: {  	[sflag:s9] =	ssyncset.done $0x0  }
0x46: {  	[sflag:s9] =	ssyncadd.s32 $0xFFFF3800  }
0x47: {  	[hbm4b:s17+s2] =	stream.linear.scatter [tilespmem:s7], [sflag:$0x3], $0xC800, $0x38;
	[tilespmem:$0x1A900] =	vst v63  }
0x48: {  	_ =	swait.ge [sflag:s11], $0xC800  }
0x49: {  	[sflag:s11] =	ssyncset.done $0x0  }
0x4a: {  	[sflag:s11] =	ssyncadd.s32 $0xFFFF3800  }
0x4b: {  	[hbm4b:s18+s2] =	stream.linear.scatter [tilespmem:s8], [sflag:$0x4], $0xC800, $0x38;
	[tilespmem:$0x1A900] =	vst v63  }
.Ltmp1:
0x4c: {  	_ =	swait.ge [sflag:s13], $0xC800;
	(pc) =	sbr.rel @p0 .LBB2_1-.Ltmp1, $4  }
0x4d: {  	[sflag:s13] =	ssyncset.done $0x0  }
0x4e: {  	[sflag:s13] =	ssyncadd.s32 $0xFFFF3800  }
0x4f: {  	_ =	swait.ge [sflag:s14], $0xC800  }
0x50: {  	[sflag:s14] =	ssyncset.done $0x0  }
.LBB2_2:
0x51: {  	[sflag:s14] =	ssyncadd.s32 $0xFFFF3800  }
0x52: {  	_ =	sfence.sel $0x180000  }
0x53: {  	[bflag:$0x0] =	sbarrier.arrive $0xFFFF  }
0x54: {  	p0 =	sne.s32 s0, $0x0;
	_ =	strace $0x9000004D  }
0x55: {  	s0 =	sadd.s32 @!p0 $0x100000, s1;
	[bflag:$0x2] =	sbarrier.arrive $0xFFFF  }
0x56: {  	[sflag:s0] =	ssyncadd.tile.s32 @!p0 $0x1;
	_ =	shalt  }
.Lfunc_end2:
_tile_overlayer_lowered:
.L_overlay_start_2:
0x57: {  	(tag) =	ssettag $0x2  }
0x58: {  	s0 =	rddreg [dreg:$0x0];
	s2 =	stileid.u32  }
0x59: {  	s1 =	rddreg [dreg:$0x1];
	p0 =	sne.s32 s2, $0x0  }
0x5a: {  	s3 =	rddreg [dreg:$0x2];
	[bflag:$0x3] =	sbarrier.arrive $0xFFFF;
	s2 =	simm.s32 @!p0 $0x1C05  }
0x5b: {  	[timem:s3], [sflag:s2] =	dma.local @!p0 [hbm:s0], s1  }
0x5c: {  	s0 =	simm.s32 @!p0 $0x5  }
0x5d: {  	_ =	swait.ge @!p0 [sflag:s0], s1  }
0x5e: {  	s1 =	ssub.s32 @!p0 $0x0, s1;
	[sflag:s0] =	ssyncset.done @!p0 $0x0  }
0x5f: {  	[sflag:s0] =	ssyncadd.s32 @!p0 s1  }
0x60: {  	[bflag:$0x3] =	sbarrier.arrive $0xFFFF  }
0x61: {  	_ =	shalt  }

// kernel: kernel.6.cloned.1.call-start
scs
__scs_entry_jumppad:
0x0: {  	(pc) =	sbr.rel $0x88, $3  }
0x1: {  	(tag) =	ssettag $0x0;
	lr =	simm.s32 $0x1  }
0x2: {  	[smem:$0x3F9F] =	sst lr;
	_ =	strace $0xD0000000  }
0x3: {  	_ = 	snop  }
0x4: {  	_ = 	snop  }
0x5: {  	_ = 	snop  }
0x6: {  	_ = 	snop  }
0x7: {  	_ = 	snop  }
__scs_overlays_trampoline_lowered:
0x8: {  	[smem:$0x3FAE] =	sst s0  }
0x9: {  	[smem:$0x3FAF] =	sst s1  }
0xa: {  	[smem:$0x3FB0] =	sst s2  }
0xb: {  	[smem:$0x3FB1] =	sst s3  }
0xc: {  	[smem:$0x3FB2] =	sst s4  }
0xd: {  	[smem:$0x3FB3] =	sst s5  }
0xe: {  	[smem:$0x3FB4] =	sst s6  }
0xf: {  	[smem:$0x3FB5] =	sst s7  }
0x10: {  	[smem:$0x3FB6] =	sst s8  }
0x11: {  	[smem:$0x3FB7] =	sst s9;
	s0 =	simm.s32 @!p0 $0x0  }
0x12: {  	s1 =	sld [smem:$0x3F9D];
	s0 =	simm.s32 @p0 $0x1  }
0x13: {  	[smem:$0x3FB8] =	sst s0;
	s0 =	simm.s32 @!p1 $0x0  }
0x14: {  	s2 =	sld [smem:$0x3F9C];
	s0 =	simm.s32 @p1 $0x1  }
0x15: {  	[smem:$0x3FB9] =	sst s0;
	s0 =	simm.s32 @!p2 $0x0  }
0x16: {  	s3 =	sld [smem:$0x3FDB];
	s0 =	simm.s32 @p2 $0x1  }
0x17: {  	s4 =	simm.s32 $0x1BF5;
	[smem:$0x3FBB] =	sst s0  }
0x18: {  	s0 =	sld [smem:$0x3F9E];
	_ =	swait.ge [sflag:s4], $0x0  }
0x19: {  	s7 =	sld [smem:$0x3F9F]  }
0x1a: {  	s8 =	sadd.s32 $0xFFFFE003, lr  }
0x1b: {  	s9 =	sadd.s32 $0xFFFFFEF7, lr;
	s5 =	simm.s32 $0xFFFFFFFF;
	p2 =	slt.u32 s8, $0xFFFFF086  }
0x1c: {  	p1 =	slt.u32 s9, $0xF7A;
	s5 =	simm.s32 @!p2 $0x0  }
0x1d: {  	s5 =	simm.s32 @p1 $0x1;
	p0 =	seq.s32 s7, s2  }
0x1e: {  	s7 =	smul.u32 @!p0 $0xF7A, s2;
	p2 =	seq.s32 @!p0 s5, $0x0  }
0x1f: {  	s9 =	smul.u32 $0xF7A, s1;
	s8 =	simm.s32 @!p0 $0x1BF5;
	p2 =	por !p2, p0  }
0x20: {  	[sflag:s8] =	ssyncset.s32 @!p0 $0xFFFFF086;
	s6 =	sadd.s32 @!p0 s3, s7;
	s7 =	simm.s32 @!p0 $0x108  }
0x21: {  	s3 =	sadd.s32 s3, s9;
	s6 =	sadd.s32 @!p0 $0x88, s6;
	s7 =	simm.s32 @p2 $0x1082  }
0x22: {  	[simem:s7], [sflag:s8] =	dma.local @!p0 [hbm:s6], $0xF7A  }
0x23: {  	s9 =	sor.u32 $0xD0000000, s2;
	s6 =	simm.s32 $0x108;
	_ =	swait.ge @!p0 [sflag:s8], $0x0  }
0x24: {  	s3 =	sadd.s32 $0x88, s3;
	s6 =	simm.s32 @!p1 $0x1082;
	[sflag:s4] =	ssyncset.s32 $0xFFFFF086  }
0x25: {  	[simem:s6], [sflag:s4] =	dma.local [hbm:s3], $0xF7A  }
0x26: {  	[smem:$0x3F9F] =	sst s1;
	(tag) =	ssettag s2;
	_ =	strace s9  }
0x27: {  	s1 =	sld [smem:$0x3FAF]  }
0x28: {  	s2 =	sld [smem:$0x3FB0]  }
0x29: {  	s4 =	sld [smem:$0x3FB2]  }
0x2a: {  	p0 =	seq.s32 s5, $0x0;
	s5 =	sld [smem:$0x3FB3]  }
0x2b: {  	s6 =	sld [smem:$0x3FB4]  }
0x2c: {  	s7 =	sld [smem:$0x3FB5]  }
0x2d: {  	s3 =	simm.s32 $0x108;
	s8 =	sld [smem:$0x3FB6]  }
0x2e: {  	s3 =	simm.s32 @!p0 $0x1082;
	s9 =	sld [smem:$0x3FB7]  }
0x2f: {  	lr =	sadd.s32 s0, s3;
	s0 =	sld [smem:$0x3FAE]  }
0x30: {  	s3 =	sld [smem:$0x3FB1]  }
0x31: {  	[smem:$0x3FBA] =	sst s10  }
0x32: {  	s10 =	sld [smem:$0x3FB8];
	_ =	sdelay $0x3  }
0x33: {  	p0 =	seq.s32 s10, $0x1;
	s10 =	sld [smem:$0x3FBA];
	_ =	sdelay $0x3  }
0x34: {  	[smem:$0x3FBA] =	sst s10  }
0x35: {  	s10 =	sld [smem:$0x3FB9];
	_ =	sdelay $0x3  }
0x36: {  	p1 =	seq.s32 s10, $0x1;
	s10 =	sld [smem:$0x3FBA];
	_ =	sdelay $0x3  }
0x37: {  	[smem:$0x3FBA] =	sst s10  }
0x38: {  	s10 =	sld [smem:$0x3FBB]  }
0x39: {  	_ = 	snop;
	(pc) =	sbr.ind lr, $3  }
0x3a: {  	_ = 	snop  }
0x3b: {  	_ = 	snop  }
0x3c: {  	p2 =	seq.s32 s10, $0x1;
	s10 =	sld [smem:$0x3FBA]  }
0x3d: {  	_ =	shalt  }
0x3e: {  	_ =	shalt  }
0x3f: {  	_ =	shalt  }
0x40: {  	_ =	shalt  }
0x41: {  	_ =	shalt  }
0x42: {  	_ =	shalt  }
0x43: {  	_ =	shalt  }
0x44: {  	_ =	shalt  }
0x45: {  	_ =	shalt  }
0x46: {  	_ =	shalt  }
0x47: {  	_ =	shalt  }
0x48: {  	_ =	shalt  }
0x49: {  	_ =	shalt  }
0x4a: {  	_ =	shalt  }
0x4b: {  	_ =	shalt  }
0x4c: {  	_ =	shalt  }
0x4d: {  	_ =	shalt  }
0x4e: {  	_ =	shalt  }
0x4f: {  	_ =	shalt  }
0x50: {  	_ =	shalt  }
0x51: {  	_ =	shalt  }
0x52: {  	_ =	shalt  }
0x53: {  	_ =	shalt  }
0x54: {  	_ =	shalt  }
0x55: {  	_ =	shalt  }
0x56: {  	_ =	shalt  }
0x57: {  	_ =	shalt  }
0x58: {  	_ =	shalt  }
0x59: {  	_ =	shalt  }
0x5a: {  	_ =	shalt  }
0x5b: {  	_ =	shalt  }
0x5c: {  	_ =	shalt  }
0x5d: {  	_ =	shalt  }
0x5e: {  	_ =	shalt  }
0x5f: {  	_ =	shalt  }
0x60: {  	_ =	shalt  }
0x61: {  	_ =	shalt  }
0x62: {  	_ =	shalt  }
0x63: {  	_ =	shalt  }
0x64: {  	_ =	shalt  }
0x65: {  	_ =	shalt  }
0x66: {  	_ =	shalt  }
0x67: {  	_ =	shalt  }
0x68: {  	_ =	shalt  }
0x69: {  	_ =	shalt  }
0x6a: {  	_ =	shalt  }
0x6b: {  	_ =	shalt  }
0x6c: {  	_ =	shalt  }
0x6d: {  	_ =	shalt  }
0x6e: {  	_ =	shalt  }
0x6f: {  	_ =	shalt  }
0x70: {  	_ =	shalt  }
0x71: {  	_ =	shalt  }
0x72: {  	_ =	shalt  }
0x73: {  	_ =	shalt  }
0x74: {  	_ =	shalt  }
0x75: {  	_ =	shalt  }
0x76: {  	_ =	shalt  }
0x77: {  	_ =	shalt  }
0x78: {  	_ =	shalt  }
0x79: {  	_ =	shalt  }
0x7a: {  	_ =	shalt  }
0x7b: {  	_ =	shalt  }
0x7c: {  	_ =	shalt  }
0x7d: {  	_ =	shalt  }
0x7e: {  	_ =	shalt  }
0x7f: {  	_ =	shalt  }
0x80: {  	_ =	shalt  }
0x81: {  	_ =	shalt  }
0x82: {  	_ =	shalt  }
0x83: {  	_ =	shalt  }
0x84: {  	_ =	shalt  }
0x85: {  	_ =	shalt  }
0x86: {  	_ =	shalt  }
0x87: {  	_ =	shalt  }
.Lfunc_end0:
.L_simem_size_0:
called_computation_lowered:
.L_overlay_start_0:
0x88: {  	s2 =	sld [smem:$0x3FD9]  }
0x89: {  	s3 =	sld [smem:$0x3FFE];
	_ =	sdelay $0x1  }
0x8a: {  	s1 =	srdreg.scid  }
0x8b: {  	s0 =	sand.u32 $0x1, s1  }
0x8c: {  	s17 =	sshll.u32 s0, $0xA;
	s2 =	sadd.s32 s3, s2  }
0x8d: {  	s2 =	sadd.s32 s2, s17  }
0x8e: {  	[smem:$0x3FC6] =	sst s2  }
0x8f: {  	_ = 	snop  }
0x90: {  	(tm) =	ssettm $0x1  }
0x91: {  	s18 =	sld [smem:$0x3FFB];
	_ =	sdelay $0x3  }
0x92: {  	_ =	strace s18  }
0x93: {  	s2 =	sld [smem:$0x3FFC];
	_ =	sdelay $0x3  }
0x94: {  	_ =	strace s2  }
0x95: {  	s2 =	sld [smem:$0x3FFD];
	_ =	sdelay $0x3  }
0x96: {  	_ =	strace s2  }
0x97: {  	_ =	strace $0x8FFFFFFF  }
0x98: {  	s19 =	sld [smem:$0x3FDB];
	_ =	sdelay $0x1  }
0x99: {  	s20 =	simm.s32 $_scs_section_size  }
0x9a: {  	s4 =	simm.s32 $_size__tile_overlayer_lowered;
	s5 =	simm.s32 $_tile_overlayer_lowered  }
0x9b: {  	s6 =	simm.s32 $0x1BFF;
	s21 =	sshll.u32 s5, $0x1;
	s3 =	sadd.s32 s20, s19  }
0x9c: {  	s22 =	simm.s32 $0x0;
	s4 =	sshll.u32 s4, $0x1;
	s5 =	sadd.s32 s21, s3  }
0x9d: {  	[timem:s22], [sflag:s6] =	dma.local [hbm:s5], s4  }
0x9e: {  	_ =	swait.ge [sflag:s6], s4  }
0x9f: {  	s4 =	ssub.s32 $0x0, s4;
	[sflag:s6] =	ssyncset.done $0x0  }
0xa0: {  	[sflag:s6] =	ssyncadd.s32 s4;
	_ =	sdelay $0x1  }
0xa1: {  	s23 =	simm.s32 $0x1B8B  }
0xa2: {  	_ =	swait.ge [sflag:s23], $0x1  }
0xa3: {  	[sflag:s23] =	ssyncset.done $0x0  }
0xa4: {  	[sflag:s23] =	ssyncadd.s32 $0xFFFFFFFF  }
0xa5: {  	s4 =	sld [smem:$0x0]  }
0xa6: {  	s5 =	sand.u32 $0xFFFFFFFE, s1  }
0xa7: {  	p0 =	sne.s32 s1, s5  }
0xa8: {  	s5 =	sshll.u32 @p0 s5, $0xE  }
0xa9: {  	s5 =	sadd.s32 @p0 $0x11B8D, s5;
	s6 =	sshll.u32 @p0 s4, $0x11  }
0xaa: {  	s5 =	sor.u32 @p0 s6, s5  }
0xab: {  	[sflag:s5] =	ssyncadd.remote.s32 @p0 $0x1;
	_ =	sdelay $0x1  }
0xac: {  	s5 =	simm.s32 @p0 $0x1B8D  }
0xad: {  	_ =	swait.eq @p0 [sflag:s5], $0x1  }
0xae: {  	[sflag:s5] =	ssyncadd.s32 @p0 $0xFFFFFFFF  }
0xaf: {  	s6 =	sshll.u32 @!p0 s1, $0xE  }
0xb0: {  	s6 =	sor.u32 @!p0 $0x4000, s6;
	s5 =	simm.s32 @!p0 $0x1B8D  }
0xb1: {  	s4 =	sshll.u32 @!p0 s4, $0x11;
	s6 =	sadd.s32 @!p0 $0x11B8D, s6;
	_ =	swait.eq @!p0 [sflag:s5], $0x1  }
0xb2: {  	s4 =	sor.u32 @!p0 s4, s6;
	[sflag:s5] =	ssyncadd.s32 @!p0 $0xFFFFFFFF  }
0xb3: {  	s25 =	simm.s32 $0x1B8E;
	s24 =	sld [smem:$0x3FFE];
	[sflag:s4] =	ssyncadd.remote.s32 @!p0 $0x1  }
0xb4: {  	s26 =	simm.s32 $execute0_lowered;
	[smem:$0x3FD2] =	sst s25  }
0xb5: {  	s5 =	sshll.u32 s26, $0x1;
	_ =	strace $0x8000004F;
	[dreg:$0x1] =	wrdreg $0xFFFFFFFF  }
0xb6: {  	s28 =	simm.s32 $_size_execute0_lowered;
	s3 =	sadd.s32 s3, s5;
	[dreg:$0x0] =	wrdreg $0x0  }
0xb7: {  	s5 =	sshll.u32 s28, $0x1;
	[dreg:$0x2] =	wrdreg s3  }
0xb8: {  	[dreg:$0x3] =	wrdreg s5  }
0xb9: {  	[dreg:$0x4] =	wrdreg $0xC0  }
0xba: {  	_ =	task [dreg:s22], $0x5FFFF  }
0xbb: {  	[dreg:$0x1] =	wrdreg $0xFFFFFFFF  }
0xbc: {  	[dreg:$0x0] =	wrdreg $0x60  }
0xbd: {  	[dreg:$0x2] =	wrdreg s24  }
0xbe: {  	[dreg:$0x3] =	wrdreg $0x9  }
0xbf: {  	_ =	task.clear_ibuf [dreg:s22], $0x4FFFF;
	_ =	strace $0x9000004F  }
0xc0: {  	s29 =	simm.s32 $0x9;
	_ =	strace $0x80000051  }
0xc1: {  	_ =	swait.ge [sflag:s29], $0x1  }
0xc2: {  	[sflag:s29] =	ssyncadd.s32 $0xFFFFFFFF  }
0xc3: {  	_ =	strace $0x90000051  }
0xc4: {  	_ =	sfence  }
0xc5: {  	s30 =	sld [smem:$0x0];
	_ =	sdelay $0x2  }
0xc6: {  	s31 =	sshll.u32 s1, $0xD;
	s1 =	sshrl.u32 s1, $0x2  }
0xc7: {  	s4 =	sand.u32 $0x4000, s31;
	s1 =	sadd.s32 s1, s30  }
0xc8: {  	s0 =	sor.u32 s4, s0;
	s1 =	sshll.u32 s1, $0x11  }
0xc9: {  	s0 =	sor.u32 s1, s0  }
0xca: {  	s0 =	sadd.s32 $0x8F2B, s0  }
0xcb: {  	[sflag:s0] =	ssyncadd.remote.s32 $0x1  }
0xcc: {  	_ =	sfence.sel $0xFFFF  }
0xcd: {  	[dreg:$0x0] =	wrdreg $0xFFFFFFFF;
	(pc) =	sbr.abs _section_cstart, $3  }
0xce: {  	[dreg:$0x1] =	wrdreg $0xFFFFFFFF  }
0xcf: {  	_ =	task.clear_ibuf [dreg:s22], $0x2FFFF;
	_ =	strace $0x9FFFFFFF  }
0xd0: {  	(tm) =	ssettm $0x7FFFFFFF  }
0xd1: {  	_ =	shalt  }
tec
execute0_lowered:
.L_overlay_start_1:
0x0: {  	(tag) =	ssettag $0x1  }
0x1: {  	s1 =	srdreg.scid;
	s0 =	stileid.u32  }
0x2: {  	s18 =	sand.u32 $0x1, s1;
	s30 =	sshll.u32 s0, $0x1  }
0x3: {  	s8 =	sor.u32 s18, s30  }
0x4: {  	s3 =	smul.u32 $0x320, s8  }
0x5: {  	s10 =	rddreg [dreg:$0x0];
	s2 =	simm.s32 $0x0  }
0x6: {  	s4 =	simm.s32 $0x5;
	[smem:$0x7FF] =	sst s2;
	s3 =	sadd.s32 s3, s10  }
0x7: {  	s1 =	rddreg [dreg:$0x1];
	_ =	strace $0x80000050;
	s3 =	sadd.s32 $0x26E200, s3  }
0x8: {  	[tilespmem:s2], [sflag:$0x5] =	stream.linear.gather [hbm4b:s3+s2], $0x1900, $0x38;
	[tilespmem:$0x1A900] =	vst v63  }
0x9: {  	_ =	swait.ge [sflag:s4], $0x1900  }
0xa: {  	s6 =	simm.s32 $0x640;
	[sflag:s4] =	ssyncset.done $0x0  }
0xb: {  	s7 =	simm.s32 $0x1900;
	s5 =	sadd.s32 $0xF45A00, s10;
	[sflag:s4] =	ssyncadd.s32 $0xFFFFE700  }
0xc: {  	[tilespmem:s7], [sflag:$0x1] =	stream.indirect.gather [hbm4b:s5+s6], $0x20, s2, s6, $0xb8;
	[tilespmem:$0x1A900] =	vst v63  }
0xd: {  	s9 =	simm.s32 $0x1;
	s11 =	smul.u32 $0x6400, s8;
	s8 =	simm.s32 $0xE100  }
0xe: {  	[tilespmem:s8], [sflag:$0x2] =	stream.indirect.gather [hbm4b:s5+s6], $0x20, s6, s6, $0xb8;
	[tilespmem:$0x1A900] =	vst v63  }
0xf: {  	_ =	swait.ge [sflag:s9], $0xC800  }
0x10: {  	s19 =	sadd.s32 s11, s10;
	[sflag:s9] =	ssyncset.done $0x0  }
0x11: {  	s11 =	simm.s32 $0x2;
	s10 =	sadd.s32 $0x274600, s19;
	[sflag:s9] =	ssyncadd.s32 $0xFFFF3800  }
0x12: {  	[hbm4b:s10+s2] =	stream.linear.scatter [tilespmem:s7], [sflag:$0x3], $0xC800, $0x38;
	[tilespmem:$0x1A900] =	vst v63  }
0x13: {  	_ =	swait.ge [sflag:s11], $0xC800  }
0x14: {  	[sflag:s11] =	ssyncset.done $0x0  }
0x15: {  	s13 =	simm.s32 $0x3;
	s12 =	sadd.s32 $0x275F00, s19;
	[sflag:s11] =	ssyncadd.s32 $0xFFFF3800  }
0x16: {  	[hbm4b:s12+s2] =	stream.linear.scatter [tilespmem:s8], [sflag:$0x4], $0xC800, $0x38;
	[tilespmem:$0x1A900] =	vst v63  }
0x17: {  	_ =	swait.ge [sflag:s13], $0xC800  }
0x18: {  	[sflag:s13] =	ssyncset.done $0x0  }
0x19: {  	s15 =	simm.s32 $0xC80;
	s14 =	simm.s32 $0x4;
	[sflag:s13] =	ssyncadd.s32 $0xFFFF3800  }
0x1a: {  	[tilespmem:s7], [sflag:$0x1] =	stream.indirect.gather [hbm4b:s5+s6], $0x20, s15, s6, $0xb8;
	[tilespmem:$0x1A900] =	vst v63  }
0x1b: {  	_ =	swait.ge [sflag:s14], $0xC800  }
0x1c: {  	[sflag:s14] =	ssyncset.done $0x0  }
0x1d: {  	s16 =	simm.s32 $0x12C0;
	[sflag:s14] =	ssyncadd.s32 $0xFFFF3800  }
0x1e: {  	[tilespmem:s8], [sflag:$0x2] =	stream.indirect.gather [hbm4b:s5+s6], $0x20, s16, s6, $0xb8;
	[tilespmem:$0x1A900] =	vst v63  }
0x1f: {  	_ =	swait.ge [sflag:s9], $0xC800  }
0x20: {  	s20 =	ssub.s32 $0x2, s18;
	[sflag:s9] =	ssyncset.done $0x0  }
0x21: {  	s31 =	sshrl.u32 s20, $0x1;
	s17 =	sadd.s32 $0x277800, s19;
	[sflag:s9] =	ssyncadd.s32 $0xFFFF3800  }
0x22: {  	[hbm4b:s17+s2] =	stream.linear.scatter [tilespmem:s7], [sflag:$0x3], $0xC800, $0x38;
	[tilespmem:$0x1A900] =	vst v63  }
0x23: {  	s18 =	sadd.s32 $0x279100, s19;
	s19 =	ssub.s32 s20, s31;
	_ =	swait.ge [sflag:s11], $0xC800  }
0x24: {  	s19 =	smax.u32 s19, $0x1;
	[sflag:s11] =	ssyncset.done $0x0  }
0x25: {  	p0 =	sne.s32 s19, $0x1;
	[sflag:s11] =	ssyncadd.s32 $0xFFFF3800  }
0x26: {  	[hbm4b:s18+s2] =	stream.linear.scatter [tilespmem:s8], [sflag:$0x4], $0xC800, $0x38;
	[tilespmem:$0x1A900] =	vst v63  }
.Ltmp0:
0x27: {  	_ =	swait.ge [sflag:s13], $0xC800;
	(pc) =	sbr.rel @!p0 .LBB2_2-.Ltmp0, $4  }
0x28: {  	[sflag:s13] =	ssyncset.done $0x0  }
0x29: {  	[sflag:s13] =	ssyncadd.s32 $0xFFFF3800  }
0x2a: {  	_ =	swait.ge [sflag:s14], $0xC800  }
0x2b: {  	s19 =	sadd.s32 $0xFFFFFFFF, s19;
	[sflag:s14] =	ssyncset.done $0x0  }
.LBB2_1:
0x2c: {  	p0 =	sne.s32 s19, $0x1;
	s19 =	sadd.s32 $0xFFFFFFFF, s19;
	[sflag:s14] =	ssyncadd.s32 $0xFFFF3800  }
0x2d: {  	[tilespmem:s2], [sflag:$0x5] =	stream.linear.gather [hbm4b:s3+s2], $0x1900, $0x38;
	[tilespmem:$0x1A900] =	vst v63  }
0x2e: {  	_ =	swait.ge [sflag:s4], $0x1900  }
0x2f: {  	[sflag:s4] =	ssyncset.done $0x0  }
0x30: {  	[sflag:s4] =	ssyncadd.s32 $0xFFFFE700  }
0x31: {  	[tilespmem:s7], [sflag:$0x1] =	stream.indirect.gather [hbm4b:s5+s6], $0x20, s2, s6, $0xb8;
	[tilespmem:$0x1A900] =	vst v63  }
0x32: {  	_ = 	snop  }
0x33: {  	[tilespmem:s8], [sflag:$0x2] =	stream.indirect.gather [hbm4b:s5+s6], $0x20, s6, s6, $0xb8;
	[tilespmem:$0x1A900] =	vst v63  }
0x34: {  	_ =	swait.ge [sflag:s9], $0xC800  }
0x35: {  	[sflag:s9] =	ssyncset.done $0x0  }
0x36: {  	[sflag:s9] =	ssyncadd.s32 $0xFFFF3800  }
0x37: {  	[hbm4b:s10+s2] =	stream.linear.scatter [tilespmem:s7], [sflag:$0x3], $0xC800, $0x38;
	[tilespmem:$0x1A900] =	vst v63  }
0x38: {  	_ =	swait.ge [sflag:s11], $0xC800  }
0x39: {  	[sflag:s11] =	ssyncset.done $0x0  }
0x3a: {  	[sflag:s11] =	ssyncadd.s32 $0xFFFF3800  }
0x3b: {  	[hbm4b:s12+s2] =	stream.linear.scatter [tilespmem:s8], [sflag:$0x4], $0xC800, $0x38;
	[tilespmem:$0x1A900] =	vst v63  }
0x3c: {  	_ =	swait.ge [sflag:s13], $0xC800  }
0x3d: {  	[sflag:s13] =	ssyncset.done $0x0  }
0x3e: {  	[sflag:s13] =	ssyncadd.s32 $0xFFFF3800  }
0x3f: {  	[tilespmem:s7], [sflag:$0x1] =	stream.indirect.gather [hbm4b:s5+s6], $0x20, s15, s6, $0xb8;
	[tilespmem:$0x1A900] =	vst v63  }
0x40: {  	_ =	swait.ge [sflag:s14], $0xC800  }
0x41: {  	[sflag:s14] =	ssyncset.done $0x0  }
0x42: {  	[sflag:s14] =	ssyncadd.s32 $0xFFFF3800  }
0x43: {  	[tilespmem:s8], [sflag:$0x2] =	stream.indirect.gather [hbm4b:s5+s6], $0x20, s16, s6, $0xb8;
	[tilespmem:$0x1A900] =	vst v63  }
0x44: {  	_ =	swait.ge [sflag:s9], $0xC800  }
0x45: {  	[sflag:s9] =	ssyncset.done $0x0  }
0x46: {  	[sflag:s9] =	ssyncadd.s32 $0xFFFF3800  }
0x47: {  	[hbm4b:s17+s2] =	stream.linear.scatter [tilespmem:s7], [sflag:$0x3], $0xC800, $0x38;
	[tilespmem:$0x1A900] =	vst v63  }
0x48: {  	_ =	swait.ge [sflag:s11], $0xC800  }
0x49: {  	[sflag:s11] =	ssyncset.done $0x0  }
0x4a: {  	[sflag:s11] =	ssyncadd.s32 $0xFFFF3800  }
0x4b: {  	[hbm4b:s18+s2] =	stream.linear.scatter [tilespmem:s8], [sflag:$0x4], $0xC800, $0x38;
	[tilespmem:$0x1A900] =	vst v63  }
.Ltmp1:
0x4c: {  	_ =	swait.ge [sflag:s13], $0xC800;
	(pc) =	sbr.rel @p0 .LBB2_1-.Ltmp1, $4  }
0x4d: {  	[sflag:s13] =	ssyncset.done $0x0  }
0x4e: {  	[sflag:s13] =	ssyncadd.s32 $0xFFFF3800  }
0x4f: {  	_ =	swait.ge [sflag:s14], $0xC800  }
0x50: {  	[sflag:s14] =	ssyncset.done $0x0  }
.LBB2_2:
0x51: {  	[sflag:s14] =	ssyncadd.s32 $0xFFFF3800  }
0x52: {  	_ =	sfence.sel $0x180000  }
0x53: {  	[bflag:$0x0] =	sbarrier.arrive $0xFFFF  }
0x54: {  	p0 =	sne.s32 s0, $0x0;
	_ =	strace $0x90000050  }
0x55: {  	s0 =	sadd.s32 @!p0 $0x100000, s1;
	[bflag:$0x2] =	sbarrier.arrive $0xFFFF  }
0x56: {  	[sflag:s0] =	ssyncadd.tile.s32 @!p0 $0x1;
	_ =	shalt  }
.Lfunc_end2:
_tile_overlayer_lowered:
.L_overlay_start_2:
0x57: {  	(tag) =	ssettag $0x2  }
0x58: {  	s0 =	rddreg [dreg:$0x0];
	s2 =	stileid.u32  }
0x59: {  	s1 =	rddreg [dreg:$0x1];
	p0 =	sne.s32 s2, $0x0  }
0x5a: {  	s3 =	rddreg [dreg:$0x2];
	[bflag:$0x3] =	sbarrier.arrive $0xFFFF;
	s2 =	simm.s32 @!p0 $0x1C05  }
0x5b: {  	[timem:s3], [sflag:s2] =	dma.local @!p0 [hbm:s0], s1  }
0x5c: {  	s0 =	simm.s32 @!p0 $0x5  }
0x5d: {  	_ =	swait.ge @!p0 [sflag:s0], s1  }
0x5e: {  	s1 =	ssub.s32 @!p0 $0x0, s1;
	[sflag:s0] =	ssyncset.done @!p0 $0x0  }
0x5f: {  	[sflag:s0] =	ssyncadd.s32 @!p0 s1  }
0x60: {  	[bflag:$0x3] =	sbarrier.arrive $0xFFFF  }
0x61: {  	_ =	shalt  }

// kernel: kernel.9.cloned.1.call-start
scs
__scs_entry_jumppad:
0x0: {  	(pc) =	sbr.rel $0x88, $3  }
0x1: {  	(tag) =	ssettag $0x0;
	lr =	simm.s32 $0x1  }
0x2: {  	[smem:$0x3F9F] =	sst lr;
	_ =	strace $0xD0000000  }
0x3: {  	_ = 	snop  }
0x4: {  	_ = 	snop  }
0x5: {  	_ = 	snop  }
0x6: {  	_ = 	snop  }
0x7: {  	_ = 	snop  }
__scs_overlays_trampoline_lowered:
0x8: {  	[smem:$0x3FAE] =	sst s0  }
0x9: {  	[smem:$0x3FAF] =	sst s1  }
0xa: {  	[smem:$0x3FB0] =	sst s2  }
0xb: {  	[smem:$0x3FB1] =	sst s3  }
0xc: {  	[smem:$0x3FB2] =	sst s4  }
0xd: {  	[smem:$0x3FB3] =	sst s5  }
0xe: {  	[smem:$0x3FB4] =	sst s6  }
0xf: {  	[smem:$0x3FB5] =	sst s7  }
0x10: {  	[smem:$0x3FB6] =	sst s8  }
0x11: {  	[smem:$0x3FB7] =	sst s9;
	s0 =	simm.s32 @!p0 $0x0  }
0x12: {  	s1 =	sld [smem:$0x3F9D];
	s0 =	simm.s32 @p0 $0x1  }
0x13: {  	[smem:$0x3FB8] =	sst s0;
	s0 =	simm.s32 @!p1 $0x0  }
0x14: {  	s2 =	sld [smem:$0x3F9C];
	s0 =	simm.s32 @p1 $0x1  }
0x15: {  	[smem:$0x3FB9] =	sst s0;
	s0 =	simm.s32 @!p2 $0x0  }
0x16: {  	s3 =	sld [smem:$0x3FDB];
	s0 =	simm.s32 @p2 $0x1  }
0x17: {  	s4 =	simm.s32 $0x1BF5;
	[smem:$0x3FBB] =	sst s0  }
0x18: {  	s0 =	sld [smem:$0x3F9E];
	_ =	swait.ge [sflag:s4], $0x0  }
0x19: {  	s7 =	sld [smem:$0x3F9F]  }
0x1a: {  	s8 =	sadd.s32 $0xFFFFE003, lr  }
0x1b: {  	s9 =	sadd.s32 $0xFFFFFEF7, lr;
	s5 =	simm.s32 $0xFFFFFFFF;
	p2 =	slt.u32 s8, $0xFFFFF086  }
0x1c: {  	p1 =	slt.u32 s9, $0xF7A;
	s5 =	simm.s32 @!p2 $0x0  }
0x1d: {  	s5 =	simm.s32 @p1 $0x1;
	p0 =	seq.s32 s7, s2  }
0x1e: {  	s7 =	smul.u32 @!p0 $0xF7A, s2;
	p2 =	seq.s32 @!p0 s5, $0x0  }
0x1f: {  	s9 =	smul.u32 $0xF7A, s1;
	s8 =	simm.s32 @!p0 $0x1BF5;
	p2 =	por !p2, p0  }
0x20: {  	[sflag:s8] =	ssyncset.s32 @!p0 $0xFFFFF086;
	s6 =	sadd.s32 @!p0 s3, s7;
	s7 =	simm.s32 @!p0 $0x108  }
0x21: {  	s3 =	sadd.s32 s3, s9;
	s6 =	sadd.s32 @!p0 $0x88, s6;
	s7 =	simm.s32 @p2 $0x1082  }
0x22: {  	[simem:s7], [sflag:s8] =	dma.local @!p0 [hbm:s6], $0xF7A  }
0x23: {  	s9 =	sor.u32 $0xD0000000, s2;
	s6 =	simm.s32 $0x108;
	_ =	swait.ge @!p0 [sflag:s8], $0x0  }
0x24: {  	s3 =	sadd.s32 $0x88, s3;
	s6 =	simm.s32 @!p1 $0x1082;
	[sflag:s4] =	ssyncset.s32 $0xFFFFF086  }
0x25: {  	[simem:s6], [sflag:s4] =	dma.local [hbm:s3], $0xF7A  }
0x26: {  	[smem:$0x3F9F] =	sst s1;
	(tag) =	ssettag s2;
	_ =	strace s9  }
0x27: {  	s1 =	sld [smem:$0x3FAF]  }
0x28: {  	s2 =	sld [smem:$0x3FB0]  }
0x29: {  	s4 =	sld [smem:$0x3FB2]  }
0x2a: {  	p0 =	seq.s32 s5, $0x0;
	s5 =	sld [smem:$0x3FB3]  }
0x2b: {  	s6 =	sld [smem:$0x3FB4]  }
0x2c: {  	s7 =	sld [smem:$0x3FB5]  }
0x2d: {  	s3 =	simm.s32 $0x108;
	s8 =	sld [smem:$0x3FB6]  }
0x2e: {  	s3 =	simm.s32 @!p0 $0x1082;
	s9 =	sld [smem:$0x3FB7]  }
0x2f: {  	lr =	sadd.s32 s0, s3;
	s0 =	sld [smem:$0x3FAE]  }
0x30: {  	s3 =	sld [smem:$0x3FB1]  }
0x31: {  	[smem:$0x3FBA] =	sst s10  }
0x32: {  	s10 =	sld [smem:$0x3FB8];
	_ =	sdelay $0x3  }
0x33: {  	p0 =	seq.s32 s10, $0x1;
	s10 =	sld [smem:$0x3FBA];
	_ =	sdelay $0x3  }
0x34: {  	[smem:$0x3FBA] =	sst s10  }
0x35: {  	s10 =	sld [smem:$0x3FB9];
	_ =	sdelay $0x3  }
0x36: {  	p1 =	seq.s32 s10, $0x1;
	s10 =	sld [smem:$0x3FBA];
	_ =	sdelay $0x3  }
0x37: {  	[smem:$0x3FBA] =	sst s10  }
0x38: {  	s10 =	sld [smem:$0x3FBB]  }
0x39: {  	_ = 	snop;
	(pc) =	sbr.ind lr, $3  }
0x3a: {  	_ = 	snop  }
0x3b: {  	_ = 	snop  }
0x3c: {  	p2 =	seq.s32 s10, $0x1;
	s10 =	sld [smem:$0x3FBA]  }
0x3d: {  	_ =	shalt  }
0x3e: {  	_ =	shalt  }
0x3f: {  	_ =	shalt  }
0x40: {  	_ =	shalt  }
0x41: {  	_ =	shalt  }
0x42: {  	_ =	shalt  }
0x43: {  	_ =	shalt  }
0x44: {  	_ =	shalt  }
0x45: {  	_ =	shalt  }
0x46: {  	_ =	shalt  }
0x47: {  	_ =	shalt  }
0x48: {  	_ =	shalt  }
0x49: {  	_ =	shalt  }
0x4a: {  	_ =	shalt  }
0x4b: {  	_ =	shalt  }
0x4c: {  	_ =	shalt  }
0x4d: {  	_ =	shalt  }
0x4e: {  	_ =	shalt  }
0x4f: {  	_ =	shalt  }
0x50: {  	_ =	shalt  }
0x51: {  	_ =	shalt  }
0x52: {  	_ =	shalt  }
0x53: {  	_ =	shalt  }
0x54: {  	_ =	shalt  }
0x55: {  	_ =	shalt  }
0x56: {  	_ =	shalt  }
0x57: {  	_ =	shalt  }
0x58: {  	_ =	shalt  }
0x59: {  	_ =	shalt  }
0x5a: {  	_ =	shalt  }
0x5b: {  	_ =	shalt  }
0x5c: {  	_ =	shalt  }
0x5d: {  	_ =	shalt  }
0x5e: {  	_ =	shalt  }
0x5f: {  	_ =	shalt  }
0x60: {  	_ =	shalt  }
0x61: {  	_ =	shalt  }
0x62: {  	_ =	shalt  }
0x63: {  	_ =	shalt  }
0x64: {  	_ =	shalt  }
0x65: {  	_ =	shalt  }
0x66: {  	_ =	shalt  }
0x67: {  	_ =	shalt  }
0x68: {  	_ =	shalt  }
0x69: {  	_ =	shalt  }
0x6a: {  	_ =	shalt  }
0x6b: {  	_ =	shalt  }
0x6c: {  	_ =	shalt  }
0x6d: {  	_ =	shalt  }
0x6e: {  	_ =	shalt  }
0x6f: {  	_ =	shalt  }
0x70: {  	_ =	shalt  }
0x71: {  	_ =	shalt  }
0x72: {  	_ =	shalt  }
0x73: {  	_ =	shalt  }
0x74: {  	_ =	shalt  }
0x75: {  	_ =	shalt  }
0x76: {  	_ =	shalt  }
0x77: {  	_ =	shalt  }
0x78: {  	_ =	shalt  }
0x79: {  	_ =	shalt  }
0x7a: {  	_ =	shalt  }
0x7b: {  	_ =	shalt  }
0x7c: {  	_ =	shalt  }
0x7d: {  	_ =	shalt  }
0x7e: {  	_ =	shalt  }
0x7f: {  	_ =	shalt  }
0x80: {  	_ =	shalt  }
0x81: {  	_ =	shalt  }
0x82: {  	_ =	shalt  }
0x83: {  	_ =	shalt  }
0x84: {  	_ =	shalt  }
0x85: {  	_ =	shalt  }
0x86: {  	_ =	shalt  }
0x87: {  	_ =	shalt  }
.Lfunc_end0:
.L_simem_size_0:
called_computation.1_lowered:
.L_overlay_start_0:
0x88: {  	s2 =	sld [smem:$0x3FD9]  }
0x89: {  	s3 =	sld [smem:$0x3FFE];
	_ =	sdelay $0x1  }
0x8a: {  	s1 =	srdreg.scid  }
0x8b: {  	s0 =	sand.u32 $0x1, s1  }
0x8c: {  	s16 =	sshll.u32 s0, $0xA;
	s2 =	sadd.s32 s3, s2  }
0x8d: {  	s2 =	sadd.s32 s2, s16  }
0x8e: {  	[smem:$0x3FC6] =	sst s2  }
0x8f: {  	_ = 	snop  }
0x90: {  	(tm) =	ssettm $0x1  }
0x91: {  	s17 =	sld [smem:$0x3FFB];
	_ =	sdelay $0x3  }
0x92: {  	_ =	strace s17  }
0x93: {  	s2 =	sld [smem:$0x3FFC];
	_ =	sdelay $0x3  }
0x94: {  	_ =	strace s2  }
0x95: {  	s2 =	sld [smem:$0x3FFD];
	_ =	sdelay $0x3  }
0x96: {  	_ =	strace s2  }
0x97: {  	_ =	strace $0x8FFFFFFF  }
0x98: {  	s18 =	sld [smem:$0x3FDB];
	_ =	sdelay $0x1  }
0x99: {  	s19 =	simm.s32 $_scs_section_size  }
0x9a: {  	s4 =	simm.s32 $_size__tile_overlayer_lowered;
	s5 =	simm.s32 $_tile_overlayer_lowered  }
0x9b: {  	s22 =	simm.s32 $0x1BFF;
	s21 =	sshll.u32 s5, $0x1;
	s2 =	sadd.s32 s19, s18  }
0x9c: {  	s6 =	simm.s32 $0x0;
	s20 =	sshll.u32 s4, $0x1;
	s4 =	sadd.s32 s21, s2  }
0x9d: {  	[timem:s6], [sflag:s22] =	dma.local [hbm:s4], s20  }
0x9e: {  	_ =	swait.ge [sflag:s22], s20  }
0x9f: {  	s3 =	ssub.s32 $0x0, s20;
	[sflag:s22] =	ssyncset.done $0x0  }
0xa0: {  	[sflag:s22] =	ssyncadd.s32 s3;
	_ =	sdelay $0x1  }
0xa1: {  	s23 =	simm.s32 $0x1B8B  }
0xa2: {  	_ =	swait.ge [sflag:s23], $0x1  }
0xa3: {  	[sflag:s23] =	ssyncset.done $0x0  }
0xa4: {  	s25 =	simm.s32 $0x1B8E;
	s24 =	sld [smem:$0x3FFE];
	[sflag:s23] =	ssyncadd.s32 $0xFFFFFFFF  }
0xa5: {  	s26 =	simm.s32 $execute0_lowered;
	[smem:$0x3FD2] =	sst s25  }
0xa6: {  	s4 =	sshll.u32 s26, $0x1;
	_ =	strace $0x80000046;
	[dreg:$0x1] =	wrdreg $0xFFFFFFFF  }
0xa7: {  	s28 =	simm.s32 $_size_execute0_lowered;
	s2 =	sadd.s32 s2, s4;
	[dreg:$0x0] =	wrdreg $0x0  }
0xa8: {  	s4 =	sshll.u32 s28, $0x1;
	[dreg:$0x2] =	wrdreg s2  }
0xa9: {  	[dreg:$0x3] =	wrdreg s4  }
0xaa: {  	[dreg:$0x4] =	wrdreg $0xC0  }
0xab: {  	_ =	task [dreg:s6], $0x5FFFF  }
0xac: {  	[dreg:$0x1] =	wrdreg $0xFFFFFFFF  }
0xad: {  	[dreg:$0x0] =	wrdreg $0x60  }
0xae: {  	[dreg:$0x2] =	wrdreg s24  }
0xaf: {  	[dreg:$0x3] =	wrdreg $0xA  }
0xb0: {  	_ =	task.clear_ibuf [dreg:s6], $0x4FFFF;
	_ =	strace $0x90000046  }
0xb1: {  	s29 =	simm.s32 $0xA;
	_ =	strace $0x80000048  }
0xb2: {  	_ =	swait.ge [sflag:s29], $0x1  }
0xb3: {  	[sflag:s29] =	ssyncadd.s32 $0xFFFFFFFF  }
0xb4: {  	_ =	strace $0x90000048  }
0xb5: {  	_ =	sfence  }
0xb6: {  	s30 =	sld [smem:$0x0];
	_ =	sdelay $0x2  }
0xb7: {  	s31 =	sshll.u32 s1, $0xD;
	s1 =	sshrl.u32 s1, $0x2  }
0xb8: {  	s3 =	sand.u32 $0x4000, s31;
	s1 =	sadd.s32 s1, s30  }
0xb9: {  	s0 =	sor.u32 s3, s0;
	s1 =	sshll.u32 s1, $0x11  }
0xba: {  	s0 =	sor.u32 s1, s0  }
0xbb: {  	s0 =	sadd.s32 $0x8F2B, s0  }
0xbc: {  	[sflag:s0] =	ssyncadd.remote.s32 $0x1  }
0xbd: {  	_ =	sfence.sel $0xFFFF  }
0xbe: {  	[dreg:$0x0] =	wrdreg $0xFFFFFFFF;
	(pc) =	sbr.abs _section_cstart, $3  }
0xbf: {  	[dreg:$0x1] =	wrdreg $0xFFFFFFFF  }
0xc0: {  	_ =	task.clear_ibuf [dreg:s6], $0x2FFFF;
	_ =	strace $0x9FFFFFFF  }
0xc1: {  	(tm) =	ssettm $0x7FFFFFFF  }
tec
execute0_lowered:
.L_overlay_start_1:
0x0: {  	(tag) =	ssettag $0x1  }
0x1: {  	s1 =	srdreg.scid;
	s0 =	stileid.u32  }
0x2: {  	s18 =	sand.u32 $0x1, s1;
	s30 =	sshll.u32 s0, $0x1  }
0x3: {  	s8 =	sor.u32 s18, s30  }
0x4: {  	s3 =	smul.u32 $0x320, s8  }
0x5: {  	s10 =	rddreg [dreg:$0x0];
	s2 =	simm.s32 $0x0  }
0x6: {  	s4 =	simm.s32 $0x5;
	[smem:$0x7FF] =	sst s2;
	s3 =	sadd.s32 s3, s10  }
0x7: {  	s1 =	rddreg [dreg:$0x1];
	_ =	strace $0x80000047;
	s3 =	sadd.s32 $0x3600, s3  }
0x8: {  	[tilespmem:s2], [sflag:$0x5] =	stream.linear.gather [hbm4b:s3+s2], $0x1900, $0x38;
	[tilespmem:$0x1A900] =	vst v63  }
0x9: {  	_ =	swait.ge [sflag:s4], $0x1900  }
0xa: {  	s6 =	simm.s32 $0x640;
	[sflag:s4] =	ssyncset.done $0x0  }
0xb: {  	s7 =	simm.s32 $0x1900;
	s5 =	sadd.s32 $0xF45A00, s10;
	[sflag:s4] =	ssyncadd.s32 $0xFFFFE700  }
0xc: {  	[tilespmem:s7], [sflag:$0x1] =	stream.indirect.gather [hbm4b:s5+s6], $0x20, s2, s6, $0xb8;
	[tilespmem:$0x1A900] =	vst v63  }
0xd: {  	s9 =	simm.s32 $0x1;
	s11 =	smul.u32 $0x6400, s8;
	s8 =	simm.s32 $0xE100  }
0xe: {  	[tilespmem:s8], [sflag:$0x2] =	stream.indirect.gather [hbm4b:s5+s6], $0x20, s6, s6, $0xb8;
	[tilespmem:$0x1A900] =	vst v63  }
0xf: {  	_ =	swait.ge [sflag:s9], $0xC800  }
0x10: {  	s19 =	sadd.s32 s11, s10;
	[sflag:s9] =	ssyncset.done $0x0  }
0x11: {  	s11 =	simm.s32 $0x2;
	s10 =	sadd.s32 $0x9A00, s19;
	[sflag:s9] =	ssyncadd.s32 $0xFFFF3800  }
0x12: {  	[hbm4b:s10+s2] =	stream.linear.scatter [tilespmem:s7], [sflag:$0x3], $0xC800, $0x38;
	[tilespmem:$0x1A900] =	vst v63  }
0x13: {  	_ =	swait.ge [sflag:s11], $0xC800  }
0x14: {  	[sflag:s11] =	ssyncset.done $0x0  }
0x15: {  	s13 =	simm.s32 $0x3;
	s12 =	sadd.s32 $0xB300, s19;
	[sflag:s11] =	ssyncadd.s32 $0xFFFF3800  }
0x16: {  	[hbm4b:s12+s2] =	stream.linear.scatter [tilespmem:s8], [sflag:$0x4], $0xC800, $0x38;
	[tilespmem:$0x1A900] =	vst v63  }
0x17: {  	_ =	swait.ge [sflag:s13], $0xC800  }
0x18: {  	[sflag:s13] =	ssyncset.done $0x0  }
0x19: {  	s15 =	simm.s32 $0xC80;
	s14 =	simm.s32 $0x4;
	[sflag:s13] =	ssyncadd.s32 $0xFFFF3800  }
0x1a: {  	[tilespmem:s7], [sflag:$0x1] =	stream.indirect.gather [hbm4b:s5+s6], $0x20, s15, s6, $0xb8;
	[tilespmem:$0x1A900] =	vst v63  }
0x1b: {  	_ =	swait.ge [sflag:s14], $0xC800  }
0x1c: {  	[sflag:s14] =	ssyncset.done $0x0  }
0x1d: {  	s16 =	simm.s32 $0x12C0;
	[sflag:s14] =	ssyncadd.s32 $0xFFFF3800  }
0x1e: {  	[tilespmem:s8], [sflag:$0x2] =	stream.indirect.gather [hbm4b:s5+s6], $0x20, s16, s6, $0xb8;
	[tilespmem:$0x1A900] =	vst v63  }
0x1f: {  	_ =	swait.ge [sflag:s9], $0xC800  }
0x20: {  	s20 =	ssub.s32 $0x2, s18;
	[sflag:s9] =	ssyncset.done $0x0  }
0x21: {  	s31 =	sshrl.u32 s20, $0x1;
	s17 =	sadd.s32 $0xCC00, s19;
	[sflag:s9] =	ssyncadd.s32 $0xFFFF3800  }
0x22: {  	[hbm4b:s17+s2] =	stream.linear.scatter [tilespmem:s7], [sflag:$0x3], $0xC800, $0x38;
	[tilespmem:$0x1A900] =	vst v63  }
0x23: {  	s18 =	sadd.s32 $0xE500, s19;
	s19 =	ssub.s32 s20, s31;
	_ =	swait.ge [sflag:s11], $0xC800  }
0x24: {  	s19 =	smax.u32 s19, $0x1;
	[sflag:s11] =	ssyncset.done $0x0  }
0x25: {  	p0 =	sne.s32 s19, $0x1;
	[sflag:s11] =	ssyncadd.s32 $0xFFFF3800  }
0x26: {  	[hbm4b:s18+s2] =	stream.linear.scatter [tilespmem:s8], [sflag:$0x4], $0xC800, $0x38;
	[tilespmem:$0x1A900] =	vst v63  }
.Ltmp0:
0x27: {  	_ =	swait.ge [sflag:s13], $0xC800;
	(pc) =	sbr.rel @!p0 .LBB2_2-.Ltmp0, $4  }
0x28: {  	[sflag:s13] =	ssyncset.done $0x0  }
0x29: {  	[sflag:s13] =	ssyncadd.s32 $0xFFFF3800  }
0x2a: {  	_ =	swait.ge [sflag:s14], $0xC800  }
0x2b: {  	s19 =	sadd.s32 $0xFFFFFFFF, s19;
	[sflag:s14] =	ssyncset.done $0x0  }
.LBB2_1:
0x2c: {  	p0 =	sne.s32 s19, $0x1;
	s19 =	sadd.s32 $0xFFFFFFFF, s19;
	[sflag:s14] =	ssyncadd.s32 $0xFFFF3800  }
0x2d: {  	[tilespmem:s2], [sflag:$0x5] =	stream.linear.gather [hbm4b:s3+s2], $0x1900, $0x38;
	[tilespmem:$0x1A900] =	vst v63  }
0x2e: {  	_ =	swait.ge [sflag:s4], $0x1900  }
0x2f: {  	[sflag:s4] =	ssyncset.done $0x0  }
0x30: {  	[sflag:s4] =	ssyncadd.s32 $0xFFFFE700  }
0x31: {  	[tilespmem:s7], [sflag:$0x1] =	stream.indirect.gather [hbm4b:s5+s6], $0x20, s2, s6, $0xb8;
	[tilespmem:$0x1A900] =	vst v63  }
0x32: {  	_ = 	snop  }
0x33: {  	[tilespmem:s8], [sflag:$0x2] =	stream.indirect.gather [hbm4b:s5+s6], $0x20, s6, s6, $0xb8;
	[tilespmem:$0x1A900] =	vst v63  }
0x34: {  	_ =	swait.ge [sflag:s9], $0xC800  }
0x35: {  	[sflag:s9] =	ssyncset.done $0x0  }
0x36: {  	[sflag:s9] =	ssyncadd.s32 $0xFFFF3800  }
0x37: {  	[hbm4b:s10+s2] =	stream.linear.scatter [tilespmem:s7], [sflag:$0x3], $0xC800, $0x38;
	[tilespmem:$0x1A900] =	vst v63  }
0x38: {  	_ =	swait.ge [sflag:s11], $0xC800  }
0x39: {  	[sflag:s11] =	ssyncset.done $0x0  }
0x3a: {  	[sflag:s11] =	ssyncadd.s32 $0xFFFF3800  }
0x3b: {  	[hbm4b:s12+s2] =	stream.linear.scatter [tilespmem:s8], [sflag:$0x4], $0xC800, $0x38;
	[tilespmem:$0x1A900] =	vst v63  }
0x3c: {  	_ =	swait.ge [sflag:s13], $0xC800  }
0x3d: {  	[sflag:s13] =	ssyncset.done $0x0  }
0x3e: {  	[sflag:s13] =	ssyncadd.s32 $0xFFFF3800  }
0x3f: {  	[tilespmem:s7], [sflag:$0x1] =	stream.indirect.gather [hbm4b:s5+s6], $0x20, s15, s6, $0xb8;
	[tilespmem:$0x1A900] =	vst v63  }
0x40: {  	_ =	swait.ge [sflag:s14], $0xC800  }
0x41: {  	[sflag:s14] =	ssyncset.done $0x0  }
0x42: {  	[sflag:s14] =	ssyncadd.s32 $0xFFFF3800  }
0x43: {  	[tilespmem:s8], [sflag:$0x2] =	stream.indirect.gather [hbm4b:s5+s6], $0x20, s16, s6, $0xb8;
	[tilespmem:$0x1A900] =	vst v63  }
0x44: {  	_ =	swait.ge [sflag:s9], $0xC800  }
0x45: {  	[sflag:s9] =	ssyncset.done $0x0  }
0x46: {  	[sflag:s9] =	ssyncadd.s32 $0xFFFF3800  }
0x47: {  	[hbm4b:s17+s2] =	stream.linear.scatter [tilespmem:s7], [sflag:$0x3], $0xC800, $0x38;
	[tilespmem:$0x1A900] =	vst v63  }
0x48: {  	_ =	swait.ge [sflag:s11], $0xC800  }
0x49: {  	[sflag:s11] =	ssyncset.done $0x0  }
0x4a: {  	[sflag:s11] =	ssyncadd.s32 $0xFFFF3800  }
0x4b: {  	[hbm4b:s18+s2] =	stream.linear.scatter [tilespmem:s8], [sflag:$0x4], $0xC800, $0x38;
	[tilespmem:$0x1A900] =	vst v63  }
.Ltmp1:
0x4c: {  	_ =	swait.ge [sflag:s13], $0xC800;
	(pc) =	sbr.rel @p0 .LBB2_1-.Ltmp1, $4  }
0x4d: {  	[sflag:s13] =	ssyncset.done $0x0  }
0x4e: {  	[sflag:s13] =	ssyncadd.s32 $0xFFFF3800  }
0x4f: {  	_ =	swait.ge [sflag:s14], $0xC800  }
0x50: {  	[sflag:s14] =	ssyncset.done $0x0  }
.LBB2_2:
0x51: {  	[sflag:s14] =	ssyncadd.s32 $0xFFFF3800  }
0x52: {  	_ =	sfence.sel $0x180000  }
0x53: {  	[bflag:$0x0] =	sbarrier.arrive $0xFFFF  }
0x54: {  	p0 =	sne.s32 s0, $0x0;
	_ =	strace $0x90000047  }
0x55: {  	s0 =	sadd.s32 @!p0 $0x100000, s1;
	[bflag:$0x2] =	sbarrier.arrive $0xFFFF  }
0x56: {  	[sflag:s0] =	ssyncadd.tile.s32 @!p0 $0x1;
	_ =	shalt  }
.Lfunc_end2:
_tile_overlayer_lowered:
.L_overlay_start_2:
0x57: {  	(tag) =	ssettag $0x2  }
0x58: {  	s0 =	rddreg [dreg:$0x0];
	s2 =	stileid.u32  }
0x59: {  	s1 =	rddreg [dreg:$0x1];
	p0 =	sne.s32 s2, $0x0  }
0x5a: {  	s3 =	rddreg [dreg:$0x2];
	[bflag:$0x3] =	sbarrier.arrive $0xFFFF;
	s2 =	simm.s32 @!p0 $0x1C05  }
0x5b: {  	[timem:s3], [sflag:s2] =	dma.local @!p0 [hbm:s0], s1  }
0x5c: {  	s0 =	simm.s32 @!p0 $0x5  }
0x5d: {  	_ =	swait.ge @!p0 [sflag:s0], s1  }
0x5e: {  	s1 =	ssub.s32 @!p0 $0x0, s1;
	[sflag:s0] =	ssyncset.done @!p0 $0x0  }
0x5f: {  	[sflag:s0] =	ssyncadd.s32 @!p0 s1  }
0x60: {  	[bflag:$0x3] =	sbarrier.arrive $0xFFFF  }
0x61: {  	_ =	shalt  }

</sc_bundles>
